<compile_context>
chip_gen: v7x
topology: tpu7x:2x2x1
jax: 0.10.2.dev20260603
libtpu: 0.0.44.dev20260713+nightly
codegen_flags: <defaults>
</compile_context>

<pallas_src>
import functools

import jax
import jax.numpy as jnp
from jax import lax
from jax.experimental import pallas as pl
from jax.experimental.pallas import tpu as pltpu
from jax.experimental.pallas import tpu_sc as plsc

NUM_CORES = 2
NUM_SUBCORES = 16
LANES = 16
NW = NUM_CORES * NUM_SUBCORES

BATCH = 16384
CHUNK = 128
BPW = BATCH // NW
ROWS_PW = BPW // CHUNK


@functools.partial(
    pl.kernel,
    mesh=plsc.VectorSubcoreMesh(core_axis_name="c", subcore_axis_name="s"),
    out_type=jax.ShapeDtypeStruct((BATCH,), jnp.float32),
    scratch_types=[
        pltpu.VMEM((BPW,), jnp.int32),
        pltpu.VMEM((BPW,), jnp.int32),
        pltpu.VMEM((ROWS_PW, CHUNK), jnp.float32),
        pltpu.VMEM((ROWS_PW, CHUNK), jnp.float32),
        pltpu.VMEM((BPW,), jnp.float32),
        pltpu.VMEM((LANES,), jnp.float32),
        pltpu.SemaphoreType.DMA,
    ],
    compiler_params=pltpu.CompilerParams(use_tc_tiling_on_sc=False,
                                         needs_layout_passes=False),
)
def _nbm_kernel(user_hbm, movie_hbm, ubias_hbm, mbias_hbm, gb_hbm, out_hbm,
                uidx, midx, uval, mval, outv, gbv, sem):
    ub1 = ubias_hbm.at[0]
    mb1 = mbias_hbm.at[0]
    wid = lax.axis_index("s") * NUM_CORES + lax.axis_index("c")
    base = wid * BPW
    ci1 = pltpu.async_copy(user_hbm.at[pl.ds(base, BPW)], uidx, sem)
    ci2 = pltpu.async_copy(movie_hbm.at[pl.ds(base, BPW)], midx, sem)
    pltpu.sync_copy(gb_hbm, gbv)
    ci1.wait()
    ci2.wait()
    copies = []
    for j in range(ROWS_PW):
        isl = pl.ds(j * CHUNK, CHUNK)
        copies.append(pltpu.async_copy(ub1.at[uidx.at[isl]], uval.at[j], sem))
        copies.append(pltpu.async_copy(mb1.at[midx.at[isl]], mval.at[j], sem))
    for c in copies:
        c.wait()
    g = gbv[...]
    for j in range(ROWS_PW):
        for i in range(CHUNK // LANES):
            sl = pl.ds(i * LANES, LANES)
            outv[pl.ds(j * CHUNK + i * LANES, LANES)] = (
                uval[j, sl] + mval[j, sl] + g)
    pltpu.sync_copy(outv, out_hbm.at[pl.ds(base, BPW)])


def kernel(user, movie, user_biases, movie_biases, global_bias):
    ub = user_biases.reshape(1, -1)
    mb = movie_biases.reshape(1, -1)
    gb = jnp.broadcast_to(global_bias.reshape(1), (LANES,))
    return _nbm_kernel(user, movie, ub, mb, gb)

# --- scband reference (transcript-rebuilt; emitter-appended) ---
"""Pipeline reference for scband-neighborhood-model-37288906063957 (READ-ONLY COPY).

The authoritative reference and input builder live on the scoring server;
editing this copy changes nothing except your own understanding.
"""

import jax, jax.numpy as jnp
import numpy as np

NUM_USERS = 1000000
NUM_MOVIES = 100000
BATCH = 16384


def setup_inputs(seed: int = 0) -> dict:
    key = jax.random.key(seed)
    k1, k2, k3, k4 = jax.random.split(key, 4)
    user = jax.random.randint(k1, (BATCH,), 0, NUM_USERS, dtype=jnp.int64 if jax.config.jax_enable_x64 else jnp.int32).astype(jnp.int32)
    movie = jax.random.randint(k2, (BATCH,), 0, NUM_MOVIES, dtype=jnp.int32)
    user_biases = jax.random.normal(k3, (NUM_USERS, 1), dtype=jnp.float32)
    movie_biases = jax.random.normal(k4, (NUM_MOVIES, 1), dtype=jnp.float32)
    global_bias = jnp.zeros((1,), dtype=jnp.float32)
    return {
        "user": user,
        "movie": movie,
        "user_biases": user_biases,
        "movie_biases": movie_biases,
        "global_bias": global_bias,
    }


def reference(user, movie, user_biases, movie_biases, global_bias):
    # embedding lookups (gather)
    user_bias = jnp.take(user_biases, user, axis=0)    # [B, 1]
    movie_bias = jnp.take(movie_biases, movie, axis=0)  # [B, 1]
    prediction = global_bias + user_bias + movie_bias   # [B, 1]
    return jnp.squeeze(prediction)                      # [B]

if __name__ == "__main__":
    import jax
    _d = setup_inputs()
    print(jax.jit(kernel)(*tuple(_d.values())))

</pallas_src>

<mosaic_0001>
#map = affine_map<(d0, d1) -> (0)>
#map1 = affine_map<(d0, d1) -> (0, 0)>
module attributes {stable_mosaic.version = 14 : i64} {
  func.func @_nbm_kernel(%arg0: i32, %arg1: i32, %arg2: memref<16384xi32, #tpu.memory_space<hbm>>, %arg3: memref<16384xi32, #tpu.memory_space<hbm>>, %arg4: memref<1x1000000xf32, #tpu.memory_space<hbm>>, %arg5: memref<1x100000xf32, #tpu.memory_space<hbm>>, %arg6: memref<16xf32, #tpu.memory_space<hbm>>, %arg7: memref<16384xf32, #tpu.memory_space<hbm>>, %arg8: memref<512xi32, #tpu.memory_space<vmem>>, %arg9: memref<512xi32, #tpu.memory_space<vmem>>, %arg10: memref<4x128xf32, #tpu.memory_space<vmem>>, %arg11: memref<4x128xf32, #tpu.memory_space<vmem>>, %arg12: memref<512xf32, #tpu.memory_space<vmem>>, %arg13: memref<16xf32, #tpu.memory_space<vmem>>, %arg14: memref<!tpu.dma_semaphore, #tpu.memory_space<semaphore_mem>>) attributes {dimension_semantics = [#tpu.dimension_semantics<core_parallel>, #tpu.dimension_semantics<subcore_parallel>], iteration_bounds = array<i64: 2, 16>, scalar_prefetch = 0 : i64, scratch_operands = 7 : i64, tpu.core_type = #tpu.core_type<sc_vector_subcore>, window_params = [{transform_indices = #map}, {transform_indices = #map}, {transform_indices = #map1}, {transform_indices = #map1}, {transform_indices = #map}, {transform_indices = #map}]} {
    %mul3A = arith.constant 2 : i32
    %mul3A_0 = arith.muli %arg1, %mul3A : i32
    %add3A = arith.addi %mul3A_0, %arg0 : i32
    %mul3A_1 = arith.constant 512 : i32
    %mul3A_2 = arith.muli %add3A, %mul3A_1 : i32
    %dma_start3A = tpu.memref_slice %arg2[%mul3A_2] : memref<16384xi32, #tpu.memory_space<hbm>> -> memref<512xi32, #tpu.memory_space<hbm>>
    %dma_start3A_3 = tpu.memref_slice %arg2[%mul3A_2] : memref<16384xi32, #tpu.memory_space<hbm>> -> memref<512xi32, #tpu.memory_space<hbm>>
    tpu.enqueue_dma source(%dma_start3A_3 : memref<512xi32, #tpu.memory_space<hbm>>) target(%arg8 : memref<512xi32, #tpu.memory_space<vmem>>) target_semaphore(%arg14 : memref<!tpu.dma_semaphore, #tpu.memory_space<semaphore_mem>>)
    %dma_start3A_4 = tpu.memref_slice %arg3[%mul3A_2] : memref<16384xi32, #tpu.memory_space<hbm>> -> memref<512xi32, #tpu.memory_space<hbm>>
    %dma_start3A_5 = tpu.memref_slice %arg3[%mul3A_2] : memref<16384xi32, #tpu.memory_space<hbm>> -> memref<512xi32, #tpu.memory_space<hbm>>
    tpu.enqueue_dma source(%dma_start3A_5 : memref<512xi32, #tpu.memory_space<hbm>>) target(%arg9 : memref<512xi32, #tpu.memory_space<vmem>>) target_semaphore(%arg14 : memref<!tpu.dma_semaphore, #tpu.memory_space<semaphore_mem>>)
    "tpu.region"() ({
      %run_scoped3A = tpu.sem_alloc : memref<!tpu.dma_semaphore, #tpu.memory_space<semaphore_mem>>
      tpu.enqueue_dma source(%arg6 : memref<16xf32, #tpu.memory_space<hbm>>) target(%arg13 : memref<16xf32, #tpu.memory_space<vmem>>) target_semaphore(%run_scoped3A : memref<!tpu.dma_semaphore, #tpu.memory_space<semaphore_mem>>)
      tpu.wait_dma2 semaphore(%run_scoped3A : memref<!tpu.dma_semaphore, #tpu.memory_space<semaphore_mem>>) src(%arg6 : memref<16xf32, #tpu.memory_space<hbm>>) dst(%arg13 : memref<16xf32, #tpu.memory_space<vmem>>)
      tpu.yield
    }) : () -> ()
    %dma_wait3A = tpu.memref_slice %arg2[%mul3A_2] : memref<16384xi32, #tpu.memory_space<hbm>> -> memref<512xi32, #tpu.memory_space<hbm>>
    %dma_wait3A_6 = tpu.memref_slice %arg2[%mul3A_2] : memref<16384xi32, #tpu.memory_space<hbm>> -> memref<512xi32, #tpu.memory_space<hbm>>
    tpu.wait_dma2 semaphore(%arg14 : memref<!tpu.dma_semaphore, #tpu.memory_space<semaphore_mem>>) src(%dma_wait3A_6 : memref<512xi32, #tpu.memory_space<hbm>>) dst(%arg8 : memref<512xi32, #tpu.memory_space<vmem>>)
    %dma_wait3A_7 = tpu.memref_slice %arg3[%mul3A_2] : memref<16384xi32, #tpu.memory_space<hbm>> -> memref<512xi32, #tpu.memory_space<hbm>>
    %dma_wait3A_8 = tpu.memref_slice %arg3[%mul3A_2] : memref<16384xi32, #tpu.memory_space<hbm>> -> memref<512xi32, #tpu.memory_space<hbm>>
    tpu.wait_dma2 semaphore(%arg14 : memref<!tpu.dma_semaphore, #tpu.memory_space<semaphore_mem>>) src(%dma_wait3A_8 : memref<512xi32, #tpu.memory_space<hbm>>) dst(%arg9 : memref<512xi32, #tpu.memory_space<vmem>>)
    %dma_start3A_9 = arith.constant 0 : i32
    %dma_start3A_10 = arith.constant 0 : i32
    %dma_start3A_11 = arith.constant 0 : i32
    %dma_start3A_12 = tpu.memref_slice %arg10[%dma_start3A_10, %dma_start3A_11] : memref<4x128xf32, #tpu.memory_space<vmem>> -> memref<1x128xf32, #tpu.memory_space<vmem>>
    %dma_start3A_13 = tpu.memref_squeeze %dma_start3A_12 : memref<1x128xf32, #tpu.memory_space<vmem>> -> memref<128xf32, #tpu.memory_space<vmem>>
    %dma_start3A_14 = arith.constant 0 : i32
    %dma_start3A_15 = tpu.memref_slice %arg8[%dma_start3A_14] : memref<512xi32, #tpu.memory_space<vmem>> -> memref<128xi32, #tpu.memory_space<vmem>>
    %dma_start3A_16 = arith.constant 0 : i32
    %dma_start3A_17 = tpu.memref_slice %arg4[%dma_start3A_9, %dma_start3A_16] : memref<1x1000000xf32, #tpu.memory_space<hbm>> -> memref<1x1000000xf32, #tpu.memory_space<hbm>>
    %dma_start3A_18 = tpu.memref_squeeze %dma_start3A_17 : memref<1x1000000xf32, #tpu.memory_space<hbm>> -> memref<1000000xf32, #tpu.memory_space<hbm>>
    %dma_start3A_19 = arith.constant 0 : i32
    %dma_start3A_20 = tpu.memref_slice %dma_start3A_18[%dma_start3A_19] : memref<1000000xf32, #tpu.memory_space<hbm>> -> memref<1000000xf32, #tpu.memory_space<hbm>>
    tpu.enqueue_indirect_dma source(%dma_start3A_20 : memref<1000000xf32, #tpu.memory_space<hbm>>) target(%dma_start3A_13 : memref<128xf32, #tpu.memory_space<vmem>>) offsets(%dma_start3A_15 : memref<128xi32, #tpu.memory_space<vmem>>) semaphore(%arg14 : memref<!tpu.dma_semaphore, #tpu.memory_space<semaphore_mem>>)
    %dma_start3A_21 = arith.constant 0 : i32
    %dma_start3A_22 = arith.constant 0 : i32
    %dma_start3A_23 = arith.constant 0 : i32
    %dma_start3A_24 = tpu.memref_slice %arg11[%dma_start3A_22, %dma_start3A_23] : memref<4x128xf32, #tpu.memory_space<vmem>> -> memref<1x128xf32, #tpu.memory_space<vmem>>
    %dma_start3A_25 = tpu.memref_squeeze %dma_start3A_24 : memref<1x128xf32, #tpu.memory_space<vmem>> -> memref<128xf32, #tpu.memory_space<vmem>>
    %dma_start3A_26 = arith.constant 0 : i32
    %dma_start3A_27 = tpu.memref_slice %arg9[%dma_start3A_26] : memref<512xi32, #tpu.memory_space<vmem>> -> memref<128xi32, #tpu.memory_space<vmem>>
    %dma_start3A_28 = arith.constant 0 : i32
    %dma_start3A_29 = tpu.memref_slice %arg5[%dma_start3A_21, %dma_start3A_28] : memref<1x100000xf32, #tpu.memory_space<hbm>> -> memref<1x100000xf32, #tpu.memory_space<hbm>>
    %dma_start3A_30 = tpu.memref_squeeze %dma_start3A_29 : memref<1x100000xf32, #tpu.memory_space<hbm>> -> memref<100000xf32, #tpu.memory_space<hbm>>
    %dma_start3A_31 = arith.constant 0 : i32
    %dma_start3A_32 = tpu.memref_slice %dma_start3A_30[%dma_start3A_31] : memref<100000xf32, #tpu.memory_space<hbm>> -> memref<100000xf32, #tpu.memory_space<hbm>>
    tpu.enqueue_indirect_dma source(%dma_start3A_32 : memref<100000xf32, #tpu.memory_space<hbm>>) target(%dma_start3A_25 : memref<128xf32, #tpu.memory_space<vmem>>) offsets(%dma_start3A_27 : memref<128xi32, #tpu.memory_space<vmem>>) semaphore(%arg14 : memref<!tpu.dma_semaphore, #tpu.memory_space<semaphore_mem>>)
    %dma_start3A_33 = arith.constant 0 : i32
    %dma_start3A_34 = arith.constant 1 : i32
    %dma_start3A_35 = arith.constant 0 : i32
    %dma_start3A_36 = tpu.memref_slice %arg10[%dma_start3A_34, %dma_start3A_35] : memref<4x128xf32, #tpu.memory_space<vmem>> -> memref<1x128xf32, #tpu.memory_space<vmem>>
    %dma_start3A_37 = tpu.memref_squeeze %dma_start3A_36 : memref<1x128xf32, #tpu.memory_space<vmem>> -> memref<128xf32, #tpu.memory_space<vmem>>
    %dma_start3A_38 = arith.constant 128 : i32
    %dma_start3A_39 = tpu.memref_slice %arg8[%dma_start3A_38] : memref<512xi32, #tpu.memory_space<vmem>> -> memref<128xi32, #tpu.memory_space<vmem>>
    %dma_start3A_40 = arith.constant 0 : i32
    %dma_start3A_41 = tpu.memref_slice %arg4[%dma_start3A_33, %dma_start3A_40] : memref<1x1000000xf32, #tpu.memory_space<hbm>> -> memref<1x1000000xf32, #tpu.memory_space<hbm>>
    %dma_start3A_42 = tpu.memref_squeeze %dma_start3A_41 : memref<1x1000000xf32, #tpu.memory_space<hbm>> -> memref<1000000xf32, #tpu.memory_space<hbm>>
    %dma_start3A_43 = arith.constant 0 : i32
    %dma_start3A_44 = tpu.memref_slice %dma_start3A_42[%dma_start3A_43] : memref<1000000xf32, #tpu.memory_space<hbm>> -> memref<1000000xf32, #tpu.memory_space<hbm>>
    tpu.enqueue_indirect_dma source(%dma_start3A_44 : memref<1000000xf32, #tpu.memory_space<hbm>>) target(%dma_start3A_37 : memref<128xf32, #tpu.memory_space<vmem>>) offsets(%dma_start3A_39 : memref<128xi32, #tpu.memory_space<vmem>>) semaphore(%arg14 : memref<!tpu.dma_semaphore, #tpu.memory_space<semaphore_mem>>)
    %dma_start3A_45 = arith.constant 0 : i32
    %dma_start3A_46 = arith.constant 1 : i32
    %dma_start3A_47 = arith.constant 0 : i32
    %dma_start3A_48 = tpu.memref_slice %arg11[%dma_start3A_46, %dma_start3A_47] : memref<4x128xf32, #tpu.memory_space<vmem>> -> memref<1x128xf32, #tpu.memory_space<vmem>>
    %dma_start3A_49 = tpu.memref_squeeze %dma_start3A_48 : memref<1x128xf32, #tpu.memory_space<vmem>> -> memref<128xf32, #tpu.memory_space<vmem>>
    %dma_start3A_50 = arith.constant 128 : i32
    %dma_start3A_51 = tpu.memref_slice %arg9[%dma_start3A_50] : memref<512xi32, #tpu.memory_space<vmem>> -> memref<128xi32, #tpu.memory_space<vmem>>
    %dma_start3A_52 = arith.constant 0 : i32
    %dma_start3A_53 = tpu.memref_slice %arg5[%dma_start3A_45, %dma_start3A_52] : memref<1x100000xf32, #tpu.memory_space<hbm>> -> memref<1x100000xf32, #tpu.memory_space<hbm>>
    %dma_start3A_54 = tpu.memref_squeeze %dma_start3A_53 : memref<1x100000xf32, #tpu.memory_space<hbm>> -> memref<100000xf32, #tpu.memory_space<hbm>>
    %dma_start3A_55 = arith.constant 0 : i32
    %dma_start3A_56 = tpu.memref_slice %dma_start3A_54[%dma_start3A_55] : memref<100000xf32, #tpu.memory_space<hbm>> -> memref<100000xf32, #tpu.memory_space<hbm>>
    tpu.enqueue_indirect_dma source(%dma_start3A_56 : memref<100000xf32, #tpu.memory_space<hbm>>) target(%dma_start3A_49 : memref<128xf32, #tpu.memory_space<vmem>>) offsets(%dma_start3A_51 : memref<128xi32, #tpu.memory_space<vmem>>) semaphore(%arg14 : memref<!tpu.dma_semaphore, #tpu.memory_space<semaphore_mem>>)
    %dma_start3A_57 = arith.constant 0 : i32
    %dma_start3A_58 = arith.constant 2 : i32
    %dma_start3A_59 = arith.constant 0 : i32
    %dma_start3A_60 = tpu.memref_slice %arg10[%dma_start3A_58, %dma_start3A_59] : memref<4x128xf32, #tpu.memory_space<vmem>> -> memref<1x128xf32, #tpu.memory_space<vmem>>
    %dma_start3A_61 = tpu.memref_squeeze %dma_start3A_60 : memref<1x128xf32, #tpu.memory_space<vmem>> -> memref<128xf32, #tpu.memory_space<vmem>>
    %dma_start3A_62 = arith.constant 256 : i32
    %dma_start3A_63 = tpu.memref_slice %arg8[%dma_start3A_62] : memref<512xi32, #tpu.memory_space<vmem>> -> memref<128xi32, #tpu.memory_space<vmem>>
    %dma_start3A_64 = arith.constant 0 : i32
    %dma_start3A_65 = tpu.memref_slice %arg4[%dma_start3A_57, %dma_start3A_64] : memref<1x1000000xf32, #tpu.memory_space<hbm>> -> memref<1x1000000xf32, #tpu.memory_space<hbm>>
    %dma_start3A_66 = tpu.memref_squeeze %dma_start3A_65 : memref<1x1000000xf32, #tpu.memory_space<hbm>> -> memref<1000000xf32, #tpu.memory_space<hbm>>
    %dma_start3A_67 = arith.constant 0 : i32
    %dma_start3A_68 = tpu.memref_slice %dma_start3A_66[%dma_start3A_67] : memref<1000000xf32, #tpu.memory_space<hbm>> -> memref<1000000xf32, #tpu.memory_space<hbm>>
    tpu.enqueue_indirect_dma source(%dma_start3A_68 : memref<1000000xf32, #tpu.memory_space<hbm>>) target(%dma_start3A_61 : memref<128xf32, #tpu.memory_space<vmem>>) offsets(%dma_start3A_63 : memref<128xi32, #tpu.memory_space<vmem>>) semaphore(%arg14 : memref<!tpu.dma_semaphore, #tpu.memory_space<semaphore_mem>>)
    %dma_start3A_69 = arith.constant 0 : i32
    %dma_start3A_70 = arith.constant 2 : i32
    %dma_start3A_71 = arith.constant 0 : i32
    %dma_start3A_72 = tpu.memref_slice %arg11[%dma_start3A_70, %dma_start3A_71] : memref<4x128xf32, #tpu.memory_space<vmem>> -> memref<1x128xf32, #tpu.memory_space<vmem>>
    %dma_start3A_73 = tpu.memref_squeeze %dma_start3A_72 : memref<1x128xf32, #tpu.memory_space<vmem>> -> memref<128xf32, #tpu.memory_space<vmem>>
    %dma_start3A_74 = arith.constant 256 : i32
    %dma_start3A_75 = tpu.memref_slice %arg9[%dma_start3A_74] : memref<512xi32, #tpu.memory_space<vmem>> -> memref<128xi32, #tpu.memory_space<vmem>>
    %dma_start3A_76 = arith.constant 0 : i32
    %dma_start3A_77 = tpu.memref_slice %arg5[%dma_start3A_69, %dma_start3A_76] : memref<1x100000xf32, #tpu.memory_space<hbm>> -> memref<1x100000xf32, #tpu.memory_space<hbm>>
    %dma_start3A_78 = tpu.memref_squeeze %dma_start3A_77 : memref<1x100000xf32, #tpu.memory_space<hbm>> -> memref<100000xf32, #tpu.memory_space<hbm>>
    %dma_start3A_79 = arith.constant 0 : i32
    %dma_start3A_80 = tpu.memref_slice %dma_start3A_78[%dma_start3A_79] : memref<100000xf32, #tpu.memory_space<hbm>> -> memref<100000xf32, #tpu.memory_space<hbm>>
    tpu.enqueue_indirect_dma source(%dma_start3A_80 : memref<100000xf32, #tpu.memory_space<hbm>>) target(%dma_start3A_73 : memref<128xf32, #tpu.memory_space<vmem>>) offsets(%dma_start3A_75 : memref<128xi32, #tpu.memory_space<vmem>>) semaphore(%arg14 : memref<!tpu.dma_semaphore, #tpu.memory_space<semaphore_mem>>)
    %dma_start3A_81 = arith.constant 0 : i32
    %dma_start3A_82 = arith.constant 3 : i32
    %dma_start3A_83 = arith.constant 0 : i32
    %dma_start3A_84 = tpu.memref_slice %arg10[%dma_start3A_82, %dma_start3A_83] : memref<4x128xf32, #tpu.memory_space<vmem>> -> memref<1x128xf32, #tpu.memory_space<vmem>>
    %dma_start3A_85 = tpu.memref_squeeze %dma_start3A_84 : memref<1x128xf32, #tpu.memory_space<vmem>> -> memref<128xf32, #tpu.memory_space<vmem>>
    %dma_start3A_86 = arith.constant 384 : i32
    %dma_start3A_87 = tpu.memref_slice %arg8[%dma_start3A_86] : memref<512xi32, #tpu.memory_space<vmem>> -> memref<128xi32, #tpu.memory_space<vmem>>
    %dma_start3A_88 = arith.constant 0 : i32
    %dma_start3A_89 = tpu.memref_slice %arg4[%dma_start3A_81, %dma_start3A_88] : memref<1x1000000xf32, #tpu.memory_space<hbm>> -> memref<1x1000000xf32, #tpu.memory_space<hbm>>
    %dma_start3A_90 = tpu.memref_squeeze %dma_start3A_89 : memref<1x1000000xf32, #tpu.memory_space<hbm>> -> memref<1000000xf32, #tpu.memory_space<hbm>>
    %dma_start3A_91 = arith.constant 0 : i32
    %dma_start3A_92 = tpu.memref_slice %dma_start3A_90[%dma_start3A_91] : memref<1000000xf32, #tpu.memory_space<hbm>> -> memref<1000000xf32, #tpu.memory_space<hbm>>
    tpu.enqueue_indirect_dma source(%dma_start3A_92 : memref<1000000xf32, #tpu.memory_space<hbm>>) target(%dma_start3A_85 : memref<128xf32, #tpu.memory_space<vmem>>) offsets(%dma_start3A_87 : memref<128xi32, #tpu.memory_space<vmem>>) semaphore(%arg14 : memref<!tpu.dma_semaphore, #tpu.memory_space<semaphore_mem>>)
    %dma_start3A_93 = arith.constant 0 : i32
    %dma_start3A_94 = arith.constant 3 : i32
    %dma_start3A_95 = arith.constant 0 : i32
    %dma_start3A_96 = tpu.memref_slice %arg11[%dma_start3A_94, %dma_start3A_95] : memref<4x128xf32, #tpu.memory_space<vmem>> -> memref<1x128xf32, #tpu.memory_space<vmem>>
    %dma_start3A_97 = tpu.memref_squeeze %dma_start3A_96 : memref<1x128xf32, #tpu.memory_space<vmem>> -> memref<128xf32, #tpu.memory_space<vmem>>
    %dma_start3A_98 = arith.constant 384 : i32
    %dma_start3A_99 = tpu.memref_slice %arg9[%dma_start3A_98] : memref<512xi32, #tpu.memory_space<vmem>> -> memref<128xi32, #tpu.memory_space<vmem>>
    %dma_start3A_100 = arith.constant 0 : i32
    %dma_start3A_101 = tpu.memref_slice %arg5[%dma_start3A_93, %dma_start3A_100] : memref<1x100000xf32, #tpu.memory_space<hbm>> -> memref<1x100000xf32, #tpu.memory_space<hbm>>
    %dma_start3A_102 = tpu.memref_squeeze %dma_start3A_101 : memref<1x100000xf32, #tpu.memory_space<hbm>> -> memref<100000xf32, #tpu.memory_space<hbm>>
    %dma_start3A_103 = arith.constant 0 : i32
    %dma_start3A_104 = tpu.memref_slice %dma_start3A_102[%dma_start3A_103] : memref<100000xf32, #tpu.memory_space<hbm>> -> memref<100000xf32, #tpu.memory_space<hbm>>
    tpu.enqueue_indirect_dma source(%dma_start3A_104 : memref<100000xf32, #tpu.memory_space<hbm>>) target(%dma_start3A_97 : memref<128xf32, #tpu.memory_space<vmem>>) offsets(%dma_start3A_99 : memref<128xi32, #tpu.memory_space<vmem>>) semaphore(%arg14 : memref<!tpu.dma_semaphore, #tpu.memory_space<semaphore_mem>>)
    %dma_wait3A_105 = arith.constant 0 : i32
    %dma_wait3A_106 = arith.constant 0 : i32
    %dma_wait3A_107 = arith.constant 0 : i32
    %dma_wait3A_108 = tpu.memref_slice %arg10[%dma_wait3A_106, %dma_wait3A_107] : memref<4x128xf32, #tpu.memory_space<vmem>> -> memref<1x128xf32, #tpu.memory_space<vmem>>
    %dma_wait3A_109 = tpu.memref_squeeze %dma_wait3A_108 : memref<1x128xf32, #tpu.memory_space<vmem>> -> memref<128xf32, #tpu.memory_space<vmem>>
    %dma_wait3A_110 = arith.constant 0 : i32
    %dma_wait3A_111 = tpu.memref_slice %arg8[%dma_wait3A_110] : memref<512xi32, #tpu.memory_space<vmem>> -> memref<128xi32, #tpu.memory_space<vmem>>
    %dma_wait3A_112 = arith.constant 0 : i32
    %dma_wait3A_113 = tpu.memref_slice %arg4[%dma_wait3A_105, %dma_wait3A_112] : memref<1x1000000xf32, #tpu.memory_space<hbm>> -> memref<1x1000000xf32, #tpu.memory_space<hbm>>
    %dma_wait3A_114 = tpu.memref_squeeze %dma_wait3A_113 : memref<1x1000000xf32, #tpu.memory_space<hbm>> -> memref<1000000xf32, #tpu.memory_space<hbm>>
    %dma_wait3A_115 = arith.constant 0 : i32
    %dma_wait3A_116 = tpu.memref_slice %dma_wait3A_114[%dma_wait3A_115] : memref<1000000xf32, #tpu.memory_space<hbm>> -> memref<1000000xf32, #tpu.memory_space<hbm>>
    tpu.wait_indirect_dma semaphore(%arg14 : memref<!tpu.dma_semaphore, #tpu.memory_space<semaphore_mem>>) src(%dma_wait3A_116 : memref<1000000xf32, #tpu.memory_space<hbm>>) dst(%dma_wait3A_109 : memref<128xf32, #tpu.memory_space<vmem>>)
    %dma_wait3A_117 = arith.constant 0 : i32
    %dma_wait3A_118 = arith.constant 0 : i32
    %dma_wait3A_119 = arith.constant 0 : i32
    %dma_wait3A_120 = tpu.memref_slice %arg11[%dma_wait3A_118, %dma_wait3A_119] : memref<4x128xf32, #tpu.memory_space<vmem>> -> memref<1x128xf32, #tpu.memory_space<vmem>>
    %dma_wait3A_121 = tpu.memref_squeeze %dma_wait3A_120 : memref<1x128xf32, #tpu.memory_space<vmem>> -> memref<128xf32, #tpu.memory_space<vmem>>
    %dma_wait3A_122 = arith.constant 0 : i32
    %dma_wait3A_123 = tpu.memref_slice %arg9[%dma_wait3A_122] : memref<512xi32, #tpu.memory_space<vmem>> -> memref<128xi32, #tpu.memory_space<vmem>>
    %dma_wait3A_124 = arith.constant 0 : i32
    %dma_wait3A_125 = tpu.memref_slice %arg5[%dma_wait3A_117, %dma_wait3A_124] : memref<1x100000xf32, #tpu.memory_space<hbm>> -> memref<1x100000xf32, #tpu.memory_space<hbm>>
    %dma_wait3A_126 = tpu.memref_squeeze %dma_wait3A_125 : memref<1x100000xf32, #tpu.memory_space<hbm>> -> memref<100000xf32, #tpu.memory_space<hbm>>
    %dma_wait3A_127 = arith.constant 0 : i32
    %dma_wait3A_128 = tpu.memref_slice %dma_wait3A_126[%dma_wait3A_127] : memref<100000xf32, #tpu.memory_space<hbm>> -> memref<100000xf32, #tpu.memory_space<hbm>>
    tpu.wait_indirect_dma semaphore(%arg14 : memref<!tpu.dma_semaphore, #tpu.memory_space<semaphore_mem>>) src(%dma_wait3A_128 : memref<100000xf32, #tpu.memory_space<hbm>>) dst(%dma_wait3A_121 : memref<128xf32, #tpu.memory_space<vmem>>)
    %dma_wait3A_129 = arith.constant 0 : i32
    %dma_wait3A_130 = arith.constant 1 : i32
    %dma_wait3A_131 = arith.constant 0 : i32
    %dma_wait3A_132 = tpu.memref_slice %arg10[%dma_wait3A_130, %dma_wait3A_131] : memref<4x128xf32, #tpu.memory_space<vmem>> -> memref<1x128xf32, #tpu.memory_space<vmem>>
    %dma_wait3A_133 = tpu.memref_squeeze %dma_wait3A_132 : memref<1x128xf32, #tpu.memory_space<vmem>> -> memref<128xf32, #tpu.memory_space<vmem>>
    %dma_wait3A_134 = arith.constant 128 : i32
    %dma_wait3A_135 = tpu.memref_slice %arg8[%dma_wait3A_134] : memref<512xi32, #tpu.memory_space<vmem>> -> memref<128xi32, #tpu.memory_space<vmem>>
    %dma_wait3A_136 = arith.constant 0 : i32
    %dma_wait3A_137 = tpu.memref_slice %arg4[%dma_wait3A_129, %dma_wait3A_136] : memref<1x1000000xf32, #tpu.memory_space<hbm>> -> memref<1x1000000xf32, #tpu.memory_space<hbm>>
    %dma_wait3A_138 = tpu.memref_squeeze %dma_wait3A_137 : memref<1x1000000xf32, #tpu.memory_space<hbm>> -> memref<1000000xf32, #tpu.memory_space<hbm>>
    %dma_wait3A_139 = arith.constant 0 : i32
    %dma_wait3A_140 = tpu.memref_slice %dma_wait3A_138[%dma_wait3A_139] : memref<1000000xf32, #tpu.memory_space<hbm>> -> memref<1000000xf32, #tpu.memory_space<hbm>>
    tpu.wait_indirect_dma semaphore(%arg14 : memref<!tpu.dma_semaphore, #tpu.memory_space<semaphore_mem>>) src(%dma_wait3A_140 : memref<1000000xf32, #tpu.memory_space<hbm>>) dst(%dma_wait3A_133 : memref<128xf32, #tpu.memory_space<vmem>>)
    %dma_wait3A_141 = arith.constant 0 : i32
    %dma_wait3A_142 = arith.constant 1 : i32
    %dma_wait3A_143 = arith.constant 0 : i32
    %dma_wait3A_144 = tpu.memref_slice %arg11[%dma_wait3A_142, %dma_wait3A_143] : memref<4x128xf32, #tpu.memory_space<vmem>> -> memref<1x128xf32, #tpu.memory_space<vmem>>
    %dma_wait3A_145 = tpu.memref_squeeze %dma_wait3A_144 : memref<1x128xf32, #tpu.memory_space<vmem>> -> memref<128xf32, #tpu.memory_space<vmem>>
    %dma_wait3A_146 = arith.constant 128 : i32
    %dma_wait3A_147 = tpu.memref_slice %arg9[%dma_wait3A_146] : memref<512xi32, #tpu.memory_space<vmem>> -> memref<128xi32, #tpu.memory_space<vmem>>
    %dma_wait3A_148 = arith.constant 0 : i32
    %dma_wait3A_149 = tpu.memref_slice %arg5[%dma_wait3A_141, %dma_wait3A_148] : memref<1x100000xf32, #tpu.memory_space<hbm>> -> memref<1x100000xf32, #tpu.memory_space<hbm>>
    %dma_wait3A_150 = tpu.memref_squeeze %dma_wait3A_149 : memref<1x100000xf32, #tpu.memory_space<hbm>> -> memref<100000xf32, #tpu.memory_space<hbm>>
    %dma_wait3A_151 = arith.constant 0 : i32
    %dma_wait3A_152 = tpu.memref_slice %dma_wait3A_150[%dma_wait3A_151] : memref<100000xf32, #tpu.memory_space<hbm>> -> memref<100000xf32, #tpu.memory_space<hbm>>
    tpu.wait_indirect_dma semaphore(%arg14 : memref<!tpu.dma_semaphore, #tpu.memory_space<semaphore_mem>>) src(%dma_wait3A_152 : memref<100000xf32, #tpu.memory_space<hbm>>) dst(%dma_wait3A_145 : memref<128xf32, #tpu.memory_space<vmem>>)
    %dma_wait3A_153 = arith.constant 0 : i32
    %dma_wait3A_154 = arith.constant 2 : i32
    %dma_wait3A_155 = arith.constant 0 : i32
    %dma_wait3A_156 = tpu.memref_slice %arg10[%dma_wait3A_154, %dma_wait3A_155] : memref<4x128xf32, #tpu.memory_space<vmem>> -> memref<1x128xf32, #tpu.memory_space<vmem>>
    %dma_wait3A_157 = tpu.memref_squeeze %dma_wait3A_156 : memref<1x128xf32, #tpu.memory_space<vmem>> -> memref<128xf32, #tpu.memory_space<vmem>>
    %dma_wait3A_158 = arith.constant 256 : i32
    %dma_wait3A_159 = tpu.memref_slice %arg8[%dma_wait3A_158] : memref<512xi32, #tpu.memory_space<vmem>> -> memref<128xi32, #tpu.memory_space<vmem>>
    %dma_wait3A_160 = arith.constant 0 : i32
    %dma_wait3A_161 = tpu.memref_slice %arg4[%dma_wait3A_153, %dma_wait3A_160] : memref<1x1000000xf32, #tpu.memory_space<hbm>> -> memref<1x1000000xf32, #tpu.memory_space<hbm>>
    %dma_wait3A_162 = tpu.memref_squeeze %dma_wait3A_161 : memref<1x1000000xf32, #tpu.memory_space<hbm>> -> memref<1000000xf32, #tpu.memory_space<hbm>>
    %dma_wait3A_163 = arith.constant 0 : i32
    %dma_wait3A_164 = tpu.memref_slice %dma_wait3A_162[%dma_wait3A_163] : memref<1000000xf32, #tpu.memory_space<hbm>> -> memref<1000000xf32, #tpu.memory_space<hbm>>
    tpu.wait_indirect_dma semaphore(%arg14 : memref<!tpu.dma_semaphore, #tpu.memory_space<semaphore_mem>>) src(%dma_wait3A_164 : memref<1000000xf32, #tpu.memory_space<hbm>>) dst(%dma_wait3A_157 : memref<128xf32, #tpu.memory_space<vmem>>)
    %dma_wait3A_165 = arith.constant 0 : i32
    %dma_wait3A_166 = arith.constant 2 : i32
    %dma_wait3A_167 = arith.constant 0 : i32
    %dma_wait3A_168 = tpu.memref_slice %arg11[%dma_wait3A_166, %dma_wait3A_167] : memref<4x128xf32, #tpu.memory_space<vmem>> -> memref<1x128xf32, #tpu.memory_space<vmem>>
    %dma_wait3A_169 = tpu.memref_squeeze %dma_wait3A_168 : memref<1x128xf32, #tpu.memory_space<vmem>> -> memref<128xf32, #tpu.memory_space<vmem>>
    %dma_wait3A_170 = arith.constant 256 : i32
    %dma_wait3A_171 = tpu.memref_slice %arg9[%dma_wait3A_170] : memref<512xi32, #tpu.memory_space<vmem>> -> memref<128xi32, #tpu.memory_space<vmem>>
    %dma_wait3A_172 = arith.constant 0 : i32
    %dma_wait3A_173 = tpu.memref_slice %arg5[%dma_wait3A_165, %dma_wait3A_172] : memref<1x100000xf32, #tpu.memory_space<hbm>> -> memref<1x100000xf32, #tpu.memory_space<hbm>>
    %dma_wait3A_174 = tpu.memref_squeeze %dma_wait3A_173 : memref<1x100000xf32, #tpu.memory_space<hbm>> -> memref<100000xf32, #tpu.memory_space<hbm>>
    %dma_wait3A_175 = arith.constant 0 : i32
    %dma_wait3A_176 = tpu.memref_slice %dma_wait3A_174[%dma_wait3A_175] : memref<100000xf32, #tpu.memory_space<hbm>> -> memref<100000xf32, #tpu.memory_space<hbm>>
    tpu.wait_indirect_dma semaphore(%arg14 : memref<!tpu.dma_semaphore, #tpu.memory_space<semaphore_mem>>) src(%dma_wait3A_176 : memref<100000xf32, #tpu.memory_space<hbm>>) dst(%dma_wait3A_169 : memref<128xf32, #tpu.memory_space<vmem>>)
    %dma_wait3A_177 = arith.constant 0 : i32
    %dma_wait3A_178 = arith.constant 3 : i32
    %dma_wait3A_179 = arith.constant 0 : i32
    %dma_wait3A_180 = tpu.memref_slice %arg10[%dma_wait3A_178, %dma_wait3A_179] : memref<4x128xf32, #tpu.memory_space<vmem>> -> memref<1x128xf32, #tpu.memory_space<vmem>>
    %dma_wait3A_181 = tpu.memref_squeeze %dma_wait3A_180 : memref<1x128xf32, #tpu.memory_space<vmem>> -> memref<128xf32, #tpu.memory_space<vmem>>
    %dma_wait3A_182 = arith.constant 384 : i32
    %dma_wait3A_183 = tpu.memref_slice %arg8[%dma_wait3A_182] : memref<512xi32, #tpu.memory_space<vmem>> -> memref<128xi32, #tpu.memory_space<vmem>>
    %dma_wait3A_184 = arith.constant 0 : i32
    %dma_wait3A_185 = tpu.memref_slice %arg4[%dma_wait3A_177, %dma_wait3A_184] : memref<1x1000000xf32, #tpu.memory_space<hbm>> -> memref<1x1000000xf32, #tpu.memory_space<hbm>>
    %dma_wait3A_186 = tpu.memref_squeeze %dma_wait3A_185 : memref<1x1000000xf32, #tpu.memory_space<hbm>> -> memref<1000000xf32, #tpu.memory_space<hbm>>
    %dma_wait3A_187 = arith.constant 0 : i32
    %dma_wait3A_188 = tpu.memref_slice %dma_wait3A_186[%dma_wait3A_187] : memref<1000000xf32, #tpu.memory_space<hbm>> -> memref<1000000xf32, #tpu.memory_space<hbm>>
    tpu.wait_indirect_dma semaphore(%arg14 : memref<!tpu.dma_semaphore, #tpu.memory_space<semaphore_mem>>) src(%dma_wait3A_188 : memref<1000000xf32, #tpu.memory_space<hbm>>) dst(%dma_wait3A_181 : memref<128xf32, #tpu.memory_space<vmem>>)
    %dma_wait3A_189 = arith.constant 0 : i32
    %dma_wait3A_190 = arith.constant 3 : i32
    %dma_wait3A_191 = arith.constant 0 : i32
    %dma_wait3A_192 = tpu.memref_slice %arg11[%dma_wait3A_190, %dma_wait3A_191] : memref<4x128xf32, #tpu.memory_space<vmem>> -> memref<1x128xf32, #tpu.memory_space<vmem>>
    %dma_wait3A_193 = tpu.memref_squeeze %dma_wait3A_192 : memref<1x128xf32, #tpu.memory_space<vmem>> -> memref<128xf32, #tpu.memory_space<vmem>>
    %dma_wait3A_194 = arith.constant 384 : i32
    %dma_wait3A_195 = tpu.memref_slice %arg9[%dma_wait3A_194] : memref<512xi32, #tpu.memory_space<vmem>> -> memref<128xi32, #tpu.memory_space<vmem>>
    %dma_wait3A_196 = arith.constant 0 : i32
    %dma_wait3A_197 = tpu.memref_slice %arg5[%dma_wait3A_189, %dma_wait3A_196] : memref<1x100000xf32, #tpu.memory_space<hbm>> -> memref<1x100000xf32, #tpu.memory_space<hbm>>
    %dma_wait3A_198 = tpu.memref_squeeze %dma_wait3A_197 : memref<1x100000xf32, #tpu.memory_space<hbm>> -> memref<100000xf32, #tpu.memory_space<hbm>>
    %dma_wait3A_199 = arith.constant 0 : i32
    %dma_wait3A_200 = tpu.memref_slice %dma_wait3A_198[%dma_wait3A_199] : memref<100000xf32, #tpu.memory_space<hbm>> -> memref<100000xf32, #tpu.memory_space<hbm>>
    tpu.wait_indirect_dma semaphore(%arg14 : memref<!tpu.dma_semaphore, #tpu.memory_space<semaphore_mem>>) src(%dma_wait3A_200 : memref<100000xf32, #tpu.memory_space<hbm>>) dst(%dma_wait3A_193 : memref<128xf32, #tpu.memory_space<vmem>>)
    %get3A = arith.constant 0 : index
    %get3A_201 = tpu.vector_load %arg13[%get3A] {strides = array<i32>} : memref<16xf32, #tpu.memory_space<vmem>>, vector<16xf32>,
    %get3A_202 = arith.constant 0 : i32
    %get3A_203 = arith.index_cast %get3A_202 : i32 to index
    %get3A_204 = arith.constant 0 : index
    %get3A_205 = tpu.vector_load %arg10[%get3A_203, %get3A_204] {strides = array<i32>} : memref<4x128xf32, #tpu.memory_space<vmem>>, vector<16xf32>,
    %get3A_206 = arith.constant 0 : i32
    %get3A_207 = arith.index_cast %get3A_206 : i32 to index
    %get3A_208 = arith.constant 0 : index
    %get3A_209 = tpu.vector_load %arg11[%get3A_207, %get3A_208] {strides = array<i32>} : memref<4x128xf32, #tpu.memory_space<vmem>>, vector<16xf32>,
    %add3A_210 = arith.addf %get3A_205, %get3A_209 : vector<16xf32>
    %add3A_211 = arith.addf %add3A_210, %get3A_201 : vector<16xf32>
    %swap3A = arith.constant 0 : index
    %swap3A_212 = tpu.vector_load %arg12[%swap3A] {strides = array<i32>} : memref<512xf32, #tpu.memory_space<vmem>>, vector<16xf32>,
    tpu.vector_store %arg12[%swap3A], %add3A_211 {strides = array<i32>} : memref<512xf32, #tpu.memory_space<vmem>>, vector<16xf32>,
    %get3A_213 = arith.constant 0 : i32
    %get3A_214 = arith.index_cast %get3A_213 : i32 to index
    %get3A_215 = arith.constant 16 : index
    %get3A_216 = tpu.vector_load %arg10[%get3A_214, %get3A_215] {strides = array<i32>} : memref<4x128xf32, #tpu.memory_space<vmem>>, vector<16xf32>,
    %get3A_217 = arith.constant 0 : i32
    %get3A_218 = arith.index_cast %get3A_217 : i32 to index
    %get3A_219 = arith.constant 16 : index
    %get3A_220 = tpu.vector_load %arg11[%get3A_218, %get3A_219] {strides = array<i32>} : memref<4x128xf32, #tpu.memory_space<vmem>>, vector<16xf32>,
    %add3A_221 = arith.addf %get3A_216, %get3A_220 : vector<16xf32>
    %add3A_222 = arith.addf %add3A_221, %get3A_201 : vector<16xf32>
    %swap3A_223 = arith.constant 16 : index
    %swap3A_224 = tpu.vector_load %arg12[%swap3A_223] {strides = array<i32>} : memref<512xf32, #tpu.memory_space<vmem>>, vector<16xf32>,
    tpu.vector_store %arg12[%swap3A_223], %add3A_222 {strides = array<i32>} : memref<512xf32, #tpu.memory_space<vmem>>, vector<16xf32>,
    %get3A_225 = arith.constant 0 : i32
    %get3A_226 = arith.index_cast %get3A_225 : i32 to index
    %get3A_227 = arith.constant 32 : index
    %get3A_228 = tpu.vector_load %arg10[%get3A_226, %get3A_227] {strides = array<i32>} : memref<4x128xf32, #tpu.memory_space<vmem>>, vector<16xf32>,
    %get3A_229 = arith.constant 0 : i32
    %get3A_230 = arith.index_cast %get3A_229 : i32 to index
    %get3A_231 = arith.constant 32 : index
    %get3A_232 = tpu.vector_load %arg11[%get3A_230, %get3A_231] {strides = array<i32>} : memref<4x128xf32, #tpu.memory_space<vmem>>, vector<16xf32>,
    %add3A_233 = arith.addf %get3A_228, %get3A_232 : vector<16xf32>
    %add3A_234 = arith.addf %add3A_233, %get3A_201 : vector<16xf32>
    %swap3A_235 = arith.constant 32 : index
    %swap3A_236 = tpu.vector_load %arg12[%swap3A_235] {strides = array<i32>} : memref<512xf32, #tpu.memory_space<vmem>>, vector<16xf32>,
    tpu.vector_store %arg12[%swap3A_235], %add3A_234 {strides = array<i32>} : memref<512xf32, #tpu.memory_space<vmem>>, vector<16xf32>,
    %get3A_237 = arith.constant 0 : i32
    %get3A_238 = arith.index_cast %get3A_237 : i32 to index
    %get3A_239 = arith.constant 48 : index
    %get3A_240 = tpu.vector_load %arg10[%get3A_238, %get3A_239] {strides = array<i32>} : memref<4x128xf32, #tpu.memory_space<vmem>>, vector<16xf32>,
    %get3A_241 = arith.constant 0 : i32
    %get3A_242 = arith.index_cast %get3A_241 : i32 to index
    %get3A_243 = arith.constant 48 : index
    %get3A_244 = tpu.vector_load %arg11[%get3A_242, %get3A_243] {strides = array<i32>} : memref<4x128xf32, #tpu.memory_space<vmem>>, vector<16xf32>,
    %add3A_245 = arith.addf %get3A_240, %get3A_244 : vector<16xf32>
    %add3A_246 = arith.addf %add3A_245, %get3A_201 : vector<16xf32>
    %swap3A_247 = arith.constant 48 : index
    %swap3A_248 = tpu.vector_load %arg12[%swap3A_247] {strides = array<i32>} : memref<512xf32, #tpu.memory_space<vmem>>, vector<16xf32>,
    tpu.vector_store %arg12[%swap3A_247], %add3A_246 {strides = array<i32>} : memref<512xf32, #tpu.memory_space<vmem>>, vector<16xf32>,
    %get3A_249 = arith.constant 0 : i32
    %get3A_250 = arith.index_cast %get3A_249 : i32 to index
    %get3A_251 = arith.constant 64 : index
    %get3A_252 = tpu.vector_load %arg10[%get3A_250, %get3A_251] {strides = array<i32>} : memref<4x128xf32, #tpu.memory_space<vmem>>, vector<16xf32>,
    %get3A_253 = arith.constant 0 : i32
    %get3A_254 = arith.index_cast %get3A_253 : i32 to index
    %get3A_255 = arith.constant 64 : index
    %get3A_256 = tpu.vector_load %arg11[%get3A_254, %get3A_255] {strides = array<i32>} : memref<4x128xf32, #tpu.memory_space<vmem>>, vector<16xf32>,
    %add3A_257 = arith.addf %get3A_252, %get3A_256 : vector<16xf32>
    %add3A_258 = arith.addf %add3A_257, %get3A_201 : vector<16xf32>
    %swap3A_259 = arith.constant 64 : index
    %swap3A_260 = tpu.vector_load %arg12[%swap3A_259] {strides = array<i32>} : memref<512xf32, #tpu.memory_space<vmem>>, vector<16xf32>,
    tpu.vector_store %arg12[%swap3A_259], %add3A_258 {strides = array<i32>} : memref<512xf32, #tpu.memory_space<vmem>>, vector<16xf32>,
    %get3A_261 = arith.constant 0 : i32
    %get3A_262 = arith.index_cast %get3A_261 : i32 to index
    %get3A_263 = arith.constant 80 : index
    %get3A_264 = tpu.vector_load %arg10[%get3A_262, %get3A_263] {strides = array<i32>} : memref<4x128xf32, #tpu.memory_space<vmem>>, vector<16xf32>,
    %get3A_265 = arith.constant 0 : i32
    %get3A_266 = arith.index_cast %get3A_265 : i32 to index
    %get3A_267 = arith.constant 80 : index
    %get3A_268 = tpu.vector_load %arg11[%get3A_266, %get3A_267] {strides = array<i32>} : memref<4x128xf32, #tpu.memory_space<vmem>>, vector<16xf32>,
    %add3A_269 = arith.addf %get3A_264, %get3A_268 : vector<16xf32>
    %add3A_270 = arith.addf %add3A_269, %get3A_201 : vector<16xf32>
    %swap3A_271 = arith.constant 80 : index
    %swap3A_272 = tpu.vector_load %arg12[%swap3A_271] {strides = array<i32>} : memref<512xf32, #tpu.memory_space<vmem>>, vector<16xf32>,
    tpu.vector_store %arg12[%swap3A_271], %add3A_270 {strides = array<i32>} : memref<512xf32, #tpu.memory_space<vmem>>, vector<16xf32>,
    %get3A_273 = arith.constant 0 : i32
    %get3A_274 = arith.index_cast %get3A_273 : i32 to index
    %get3A_275 = arith.constant 96 : index
    %get3A_276 = tpu.vector_load %arg10[%get3A_274, %get3A_275] {strides = array<i32>} : memref<4x128xf32, #tpu.memory_space<vmem>>, vector<16xf32>,
    %get3A_277 = arith.constant 0 : i32
    %get3A_278 = arith.index_cast %get3A_277 : i32 to index
    %get3A_279 = arith.constant 96 : index
    %get3A_280 = tpu.vector_load %arg11[%get3A_278, %get3A_279] {strides = array<i32>} : memref<4x128xf32, #tpu.memory_space<vmem>>, vector<16xf32>,
    %add3A_281 = arith.addf %get3A_276, %get3A_280 : vector<16xf32>
    %add3A_282 = arith.addf %add3A_281, %get3A_201 : vector<16xf32>
    %swap3A_283 = arith.constant 96 : index
    %swap3A_284 = tpu.vector_load %arg12[%swap3A_283] {strides = array<i32>} : memref<512xf32, #tpu.memory_space<vmem>>, vector<16xf32>,
    tpu.vector_store %arg12[%swap3A_283], %add3A_282 {strides = array<i32>} : memref<512xf32, #tpu.memory_space<vmem>>, vector<16xf32>,
    %get3A_285 = arith.constant 0 : i32
    %get3A_286 = arith.index_cast %get3A_285 : i32 to index
    %get3A_287 = arith.constant 112 : index
    %get3A_288 = tpu.vector_load %arg10[%get3A_286, %get3A_287] {strides = array<i32>} : memref<4x128xf32, #tpu.memory_space<vmem>>, vector<16xf32>,
    %get3A_289 = arith.constant 0 : i32
    %get3A_290 = arith.index_cast %get3A_289 : i32 to index
    %get3A_291 = arith.constant 112 : index
    %get3A_292 = tpu.vector_load %arg11[%get3A_290, %get3A_291] {strides = array<i32>} : memref<4x128xf32, #tpu.memory_space<vmem>>, vector<16xf32>,
    %add3A_293 = arith.addf %get3A_288, %get3A_292 : vector<16xf32>
    %add3A_294 = arith.addf %add3A_293, %get3A_201 : vector<16xf32>
    %swap3A_295 = arith.constant 112 : index
    %swap3A_296 = tpu.vector_load %arg12[%swap3A_295] {strides = array<i32>} : memref<512xf32, #tpu.memory_space<vmem>>, vector<16xf32>,
    tpu.vector_store %arg12[%swap3A_295], %add3A_294 {strides = array<i32>} : memref<512xf32, #tpu.memory_space<vmem>>, vector<16xf32>,
    %get3A_297 = arith.constant 1 : i32
    %get3A_298 = arith.index_cast %get3A_297 : i32 to index
    %get3A_299 = arith.constant 0 : index
    %get3A_300 = tpu.vector_load %arg10[%get3A_298, %get3A_299] {strides = array<i32>} : memref<4x128xf32, #tpu.memory_space<vmem>>, vector<16xf32>,
    %get3A_301 = arith.constant 1 : i32
    %get3A_302 = arith.index_cast %get3A_301 : i32 to index
    %get3A_303 = arith.constant 0 : index
    %get3A_304 = tpu.vector_load %arg11[%get3A_302, %get3A_303] {strides = array<i32>} : memref<4x128xf32, #tpu.memory_space<vmem>>, vector<16xf32>,
    %add3A_305 = arith.addf %get3A_300, %get3A_304 : vector<16xf32>
    %add3A_306 = arith.addf %add3A_305, %get3A_201 : vector<16xf32>
    %swap3A_307 = arith.constant 128 : index
    %swap3A_308 = tpu.vector_load %arg12[%swap3A_307] {strides = array<i32>} : memref<512xf32, #tpu.memory_space<vmem>>, vector<16xf32>,
    tpu.vector_store %arg12[%swap3A_307], %add3A_306 {strides = array<i32>} : memref<512xf32, #tpu.memory_space<vmem>>, vector<16xf32>,
    %get3A_309 = arith.constant 1 : i32
    %get3A_310 = arith.index_cast %get3A_309 : i32 to index
    %get3A_311 = arith.constant 16 : index
    %get3A_312 = tpu.vector_load %arg10[%get3A_310, %get3A_311] {strides = array<i32>} : memref<4x128xf32, #tpu.memory_space<vmem>>, vector<16xf32>,
    %get3A_313 = arith.constant 1 : i32
    %get3A_314 = arith.index_cast %get3A_313 : i32 to index
    %get3A_315 = arith.constant 16 : index
    %get3A_316 = tpu.vector_load %arg11[%get3A_314, %get3A_315] {strides = array<i32>} : memref<4x128xf32, #tpu.memory_space<vmem>>, vector<16xf32>,
    %add3A_317 = arith.addf %get3A_312, %get3A_316 : vector<16xf32>
    %add3A_318 = arith.addf %add3A_317, %get3A_201 : vector<16xf32>
    %swap3A_319 = arith.constant 144 : index
    %swap3A_320 = tpu.vector_load %arg12[%swap3A_319] {strides = array<i32>} : memref<512xf32, #tpu.memory_space<vmem>>, vector<16xf32>,
    tpu.vector_store %arg12[%swap3A_319], %add3A_318 {strides = array<i32>} : memref<512xf32, #tpu.memory_space<vmem>>, vector<16xf32>,
    %get3A_321 = arith.constant 1 : i32
    %get3A_322 = arith.index_cast %get3A_321 : i32 to index
    %get3A_323 = arith.constant 32 : index
    %get3A_324 = tpu.vector_load %arg10[%get3A_322, %get3A_323] {strides = array<i32>} : memref<4x128xf32, #tpu.memory_space<vmem>>, vector<16xf32>,
    %get3A_325 = arith.constant 1 : i32
    %get3A_326 = arith.index_cast %get3A_325 : i32 to index
    %get3A_327 = arith.constant 32 : index
    %get3A_328 = tpu.vector_load %arg11[%get3A_326, %get3A_327] {strides = array<i32>} : memref<4x128xf32, #tpu.memory_space<vmem>>, vector<16xf32>,
    %add3A_329 = arith.addf %get3A_324, %get3A_328 : vector<16xf32>
    %add3A_330 = arith.addf %add3A_329, %get3A_201 : vector<16xf32>
    %swap3A_331 = arith.constant 160 : index
    %swap3A_332 = tpu.vector_load %arg12[%swap3A_331] {strides = array<i32>} : memref<512xf32, #tpu.memory_space<vmem>>, vector<16xf32>,
    tpu.vector_store %arg12[%swap3A_331], %add3A_330 {strides = array<i32>} : memref<512xf32, #tpu.memory_space<vmem>>, vector<16xf32>,
    %get3A_333 = arith.constant 1 : i32
    %get3A_334 = arith.index_cast %get3A_333 : i32 to index
    %get3A_335 = arith.constant 48 : index
    %get3A_336 = tpu.vector_load %arg10[%get3A_334, %get3A_335] {strides = array<i32>} : memref<4x128xf32, #tpu.memory_space<vmem>>, vector<16xf32>,
    %get3A_337 = arith.constant 1 : i32
    %get3A_338 = arith.index_cast %get3A_337 : i32 to index
    %get3A_339 = arith.constant 48 : index
    %get3A_340 = tpu.vector_load %arg11[%get3A_338, %get3A_339] {strides = array<i32>} : memref<4x128xf32, #tpu.memory_space<vmem>>, vector<16xf32>,
    %add3A_341 = arith.addf %get3A_336, %get3A_340 : vector<16xf32>
    %add3A_342 = arith.addf %add3A_341, %get3A_201 : vector<16xf32>
    %swap3A_343 = arith.constant 176 : index
    %swap3A_344 = tpu.vector_load %arg12[%swap3A_343] {strides = array<i32>} : memref<512xf32, #tpu.memory_space<vmem>>, vector<16xf32>,
    tpu.vector_store %arg12[%swap3A_343], %add3A_342 {strides = array<i32>} : memref<512xf32, #tpu.memory_space<vmem>>, vector<16xf32>,
    %get3A_345 = arith.constant 1 : i32
    %get3A_346 = arith.index_cast %get3A_345 : i32 to index
    %get3A_347 = arith.constant 64 : index
    %get3A_348 = tpu.vector_load %arg10[%get3A_346, %get3A_347] {strides = array<i32>} : memref<4x128xf32, #tpu.memory_space<vmem>>, vector<16xf32>,
    %get3A_349 = arith.constant 1 : i32
    %get3A_350 = arith.index_cast %get3A_349 : i32 to index
    %get3A_351 = arith.constant 64 : index
    %get3A_352 = tpu.vector_load %arg11[%get3A_350, %get3A_351] {strides = array<i32>} : memref<4x128xf32, #tpu.memory_space<vmem>>, vector<16xf32>,
    %add3A_353 = arith.addf %get3A_348, %get3A_352 : vector<16xf32>
    %add3A_354 = arith.addf %add3A_353, %get3A_201 : vector<16xf32>
    %swap3A_355 = arith.constant 192 : index
    %swap3A_356 = tpu.vector_load %arg12[%swap3A_355] {strides = array<i32>} : memref<512xf32, #tpu.memory_space<vmem>>, vector<16xf32>,
    tpu.vector_store %arg12[%swap3A_355], %add3A_354 {strides = array<i32>} : memref<512xf32, #tpu.memory_space<vmem>>, vector<16xf32>,
    %get3A_357 = arith.constant 1 : i32
    %get3A_358 = arith.index_cast %get3A_357 : i32 to index
    %get3A_359 = arith.constant 80 : index
    %get3A_360 = tpu.vector_load %arg10[%get3A_358, %get3A_359] {strides = array<i32>} : memref<4x128xf32, #tpu.memory_space<vmem>>, vector<16xf32>,
    %get3A_361 = arith.constant 1 : i32
    %get3A_362 = arith.index_cast %get3A_361 : i32 to index
    %get3A_363 = arith.constant 80 : index
    %get3A_364 = tpu.vector_load %arg11[%get3A_362, %get3A_363] {strides = array<i32>} : memref<4x128xf32, #tpu.memory_space<vmem>>, vector<16xf32>,
    %add3A_365 = arith.addf %get3A_360, %get3A_364 : vector<16xf32>
    %add3A_366 = arith.addf %add3A_365, %get3A_201 : vector<16xf32>
    %swap3A_367 = arith.constant 208 : index
    %swap3A_368 = tpu.vector_load %arg12[%swap3A_367] {strides = array<i32>} : memref<512xf32, #tpu.memory_space<vmem>>, vector<16xf32>,
    tpu.vector_store %arg12[%swap3A_367], %add3A_366 {strides = array<i32>} : memref<512xf32, #tpu.memory_space<vmem>>, vector<16xf32>,
    %get3A_369 = arith.constant 1 : i32
    %get3A_370 = arith.index_cast %get3A_369 : i32 to index
    %get3A_371 = arith.constant 96 : index
    %get3A_372 = tpu.vector_load %arg10[%get3A_370, %get3A_371] {strides = array<i32>} : memref<4x128xf32, #tpu.memory_space<vmem>>, vector<16xf32>,
    %get3A_373 = arith.constant 1 : i32
    %get3A_374 = arith.index_cast %get3A_373 : i32 to index
    %get3A_375 = arith.constant 96 : index
    %get3A_376 = tpu.vector_load %arg11[%get3A_374, %get3A_375] {strides = array<i32>} : memref<4x128xf32, #tpu.memory_space<vmem>>, vector<16xf32>,
    %add3A_377 = arith.addf %get3A_372, %get3A_376 : vector<16xf32>
    %add3A_378 = arith.addf %add3A_377, %get3A_201 : vector<16xf32>
    %swap3A_379 = arith.constant 224 : index
    %swap3A_380 = tpu.vector_load %arg12[%swap3A_379] {strides = array<i32>} : memref<512xf32, #tpu.memory_space<vmem>>, vector<16xf32>,
    tpu.vector_store %arg12[%swap3A_379], %add3A_378 {strides = array<i32>} : memref<512xf32, #tpu.memory_space<vmem>>, vector<16xf32>,
    %get3A_381 = arith.constant 1 : i32
    %get3A_382 = arith.index_cast %get3A_381 : i32 to index
    %get3A_383 = arith.constant 112 : index
    %get3A_384 = tpu.vector_load %arg10[%get3A_382, %get3A_383] {strides = array<i32>} : memref<4x128xf32, #tpu.memory_space<vmem>>, vector<16xf32>,
    %get3A_385 = arith.constant 1 : i32
    %get3A_386 = arith.index_cast %get3A_385 : i32 to index
    %get3A_387 = arith.constant 112 : index
    %get3A_388 = tpu.vector_load %arg11[%get3A_386, %get3A_387] {strides = array<i32>} : memref<4x128xf32, #tpu.memory_space<vmem>>, vector<16xf32>,
    %add3A_389 = arith.addf %get3A_384, %get3A_388 : vector<16xf32>
    %add3A_390 = arith.addf %add3A_389, %get3A_201 : vector<16xf32>
    %swap3A_391 = arith.constant 240 : index
    %swap3A_392 = tpu.vector_load %arg12[%swap3A_391] {strides = array<i32>} : memref<512xf32, #tpu.memory_space<vmem>>, vector<16xf32>,
    tpu.vector_store %arg12[%swap3A_391], %add3A_390 {strides = array<i32>} : memref<512xf32, #tpu.memory_space<vmem>>, vector<16xf32>,
    %get3A_393 = arith.constant 2 : i32
    %get3A_394 = arith.index_cast %get3A_393 : i32 to index
    %get3A_395 = arith.constant 0 : index
    %get3A_396 = tpu.vector_load %arg10[%get3A_394, %get3A_395] {strides = array<i32>} : memref<4x128xf32, #tpu.memory_space<vmem>>, vector<16xf32>,
    %get3A_397 = arith.constant 2 : i32
    %get3A_398 = arith.index_cast %get3A_397 : i32 to index
    %get3A_399 = arith.constant 0 : index
    %get3A_400 = tpu.vector_load %arg11[%get3A_398, %get3A_399] {strides = array<i32>} : memref<4x128xf32, #tpu.memory_space<vmem>>, vector<16xf32>,
    %add3A_401 = arith.addf %get3A_396, %get3A_400 : vector<16xf32>
    %add3A_402 = arith.addf %add3A_401, %get3A_201 : vector<16xf32>
    %swap3A_403 = arith.constant 256 : index
    %swap3A_404 = tpu.vector_load %arg12[%swap3A_403] {strides = array<i32>} : memref<512xf32, #tpu.memory_space<vmem>>, vector<16xf32>,
    tpu.vector_store %arg12[%swap3A_403], %add3A_402 {strides = array<i32>} : memref<512xf32, #tpu.memory_space<vmem>>, vector<16xf32>,
    %get3A_405 = arith.constant 2 : i32
    %get3A_406 = arith.index_cast %get3A_405 : i32 to index
    %get3A_407 = arith.constant 16 : index
    %get3A_408 = tpu.vector_load %arg10[%get3A_406, %get3A_407] {strides = array<i32>} : memref<4x128xf32, #tpu.memory_space<vmem>>, vector<16xf32>,
    %get3A_409 = arith.constant 2 : i32
    %get3A_410 = arith.index_cast %get3A_409 : i32 to index
    %get3A_411 = arith.constant 16 : index
    %get3A_412 = tpu.vector_load %arg11[%get3A_410, %get3A_411] {strides = array<i32>} : memref<4x128xf32, #tpu.memory_space<vmem>>, vector<16xf32>,
    %add3A_413 = arith.addf %get3A_408, %get3A_412 : vector<16xf32>
    %add3A_414 = arith.addf %add3A_413, %get3A_201 : vector<16xf32>
    %swap3A_415 = arith.constant 272 : index
    %swap3A_416 = tpu.vector_load %arg12[%swap3A_415] {strides = array<i32>} : memref<512xf32, #tpu.memory_space<vmem>>, vector<16xf32>,
    tpu.vector_store %arg12[%swap3A_415], %add3A_414 {strides = array<i32>} : memref<512xf32, #tpu.memory_space<vmem>>, vector<16xf32>,
    %get3A_417 = arith.constant 2 : i32
    %get3A_418 = arith.index_cast %get3A_417 : i32 to index
    %get3A_419 = arith.constant 32 : index
    %get3A_420 = tpu.vector_load %arg10[%get3A_418, %get3A_419] {strides = array<i32>} : memref<4x128xf32, #tpu.memory_space<vmem>>, vector<16xf32>,
    %get3A_421 = arith.constant 2 : i32
    %get3A_422 = arith.index_cast %get3A_421 : i32 to index
    %get3A_423 = arith.constant 32 : index
    %get3A_424 = tpu.vector_load %arg11[%get3A_422, %get3A_423] {strides = array<i32>} : memref<4x128xf32, #tpu.memory_space<vmem>>, vector<16xf32>,
    %add3A_425 = arith.addf %get3A_420, %get3A_424 : vector<16xf32>
    %add3A_426 = arith.addf %add3A_425, %get3A_201 : vector<16xf32>
    %swap3A_427 = arith.constant 288 : index
    %swap3A_428 = tpu.vector_load %arg12[%swap3A_427] {strides = array<i32>} : memref<512xf32, #tpu.memory_space<vmem>>, vector<16xf32>,
    tpu.vector_store %arg12[%swap3A_427], %add3A_426 {strides = array<i32>} : memref<512xf32, #tpu.memory_space<vmem>>, vector<16xf32>,
    %get3A_429 = arith.constant 2 : i32
    %get3A_430 = arith.index_cast %get3A_429 : i32 to index
    %get3A_431 = arith.constant 48 : index
    %get3A_432 = tpu.vector_load %arg10[%get3A_430, %get3A_431] {strides = array<i32>} : memref<4x128xf32, #tpu.memory_space<vmem>>, vector<16xf32>,
    %get3A_433 = arith.constant 2 : i32
    %get3A_434 = arith.index_cast %get3A_433 : i32 to index
    %get3A_435 = arith.constant 48 : index
    %get3A_436 = tpu.vector_load %arg11[%get3A_434, %get3A_435] {strides = array<i32>} : memref<4x128xf32, #tpu.memory_space<vmem>>, vector<16xf32>,
    %add3A_437 = arith.addf %get3A_432, %get3A_436 : vector<16xf32>
    %add3A_438 = arith.addf %add3A_437, %get3A_201 : vector<16xf32>
    %swap3A_439 = arith.constant 304 : index
    %swap3A_440 = tpu.vector_load %arg12[%swap3A_439] {strides = array<i32>} : memref<512xf32, #tpu.memory_space<vmem>>, vector<16xf32>,
    tpu.vector_store %arg12[%swap3A_439], %add3A_438 {strides = array<i32>} : memref<512xf32, #tpu.memory_space<vmem>>, vector<16xf32>,
    %get3A_441 = arith.constant 2 : i32
    %get3A_442 = arith.index_cast %get3A_441 : i32 to index
    %get3A_443 = arith.constant 64 : index
    %get3A_444 = tpu.vector_load %arg10[%get3A_442, %get3A_443] {strides = array<i32>} : memref<4x128xf32, #tpu.memory_space<vmem>>, vector<16xf32>,
    %get3A_445 = arith.constant 2 : i32
    %get3A_446 = arith.index_cast %get3A_445 : i32 to index
    %get3A_447 = arith.constant 64 : index
    %get3A_448 = tpu.vector_load %arg11[%get3A_446, %get3A_447] {strides = array<i32>} : memref<4x128xf32, #tpu.memory_space<vmem>>, vector<16xf32>,
    %add3A_449 = arith.addf %get3A_444, %get3A_448 : vector<16xf32>
    %add3A_450 = arith.addf %add3A_449, %get3A_201 : vector<16xf32>
    %swap3A_451 = arith.constant 320 : index
    %swap3A_452 = tpu.vector_load %arg12[%swap3A_451] {strides = array<i32>} : memref<512xf32, #tpu.memory_space<vmem>>, vector<16xf32>,
    tpu.vector_store %arg12[%swap3A_451], %add3A_450 {strides = array<i32>} : memref<512xf32, #tpu.memory_space<vmem>>, vector<16xf32>,
    %get3A_453 = arith.constant 2 : i32
    %get3A_454 = arith.index_cast %get3A_453 : i32 to index
    %get3A_455 = arith.constant 80 : index
    %get3A_456 = tpu.vector_load %arg10[%get3A_454, %get3A_455] {strides = array<i32>} : memref<4x128xf32, #tpu.memory_space<vmem>>, vector<16xf32>,
    %get3A_457 = arith.constant 2 : i32
    %get3A_458 = arith.index_cast %get3A_457 : i32 to index
    %get3A_459 = arith.constant 80 : index
    %get3A_460 = tpu.vector_load %arg11[%get3A_458, %get3A_459] {strides = array<i32>} : memref<4x128xf32, #tpu.memory_space<vmem>>, vector<16xf32>,
    %add3A_461 = arith.addf %get3A_456, %get3A_460 : vector<16xf32>
    %add3A_462 = arith.addf %add3A_461, %get3A_201 : vector<16xf32>
    %swap3A_463 = arith.constant 336 : index
    %swap3A_464 = tpu.vector_load %arg12[%swap3A_463] {strides = array<i32>} : memref<512xf32, #tpu.memory_space<vmem>>, vector<16xf32>,
    tpu.vector_store %arg12[%swap3A_463], %add3A_462 {strides = array<i32>} : memref<512xf32, #tpu.memory_space<vmem>>, vector<16xf32>,
    %get3A_465 = arith.constant 2 : i32
    %get3A_466 = arith.index_cast %get3A_465 : i32 to index
    %get3A_467 = arith.constant 96 : index
    %get3A_468 = tpu.vector_load %arg10[%get3A_466, %get3A_467] {strides = array<i32>} : memref<4x128xf32, #tpu.memory_space<vmem>>, vector<16xf32>,
    %get3A_469 = arith.constant 2 : i32
    %get3A_470 = arith.index_cast %get3A_469 : i32 to index
    %get3A_471 = arith.constant 96 : index
    %get3A_472 = tpu.vector_load %arg11[%get3A_470, %get3A_471] {strides = array<i32>} : memref<4x128xf32, #tpu.memory_space<vmem>>, vector<16xf32>,
    %add3A_473 = arith.addf %get3A_468, %get3A_472 : vector<16xf32>
    %add3A_474 = arith.addf %add3A_473, %get3A_201 : vector<16xf32>
    %swap3A_475 = arith.constant 352 : index
    %swap3A_476 = tpu.vector_load %arg12[%swap3A_475] {strides = array<i32>} : memref<512xf32, #tpu.memory_space<vmem>>, vector<16xf32>,
    tpu.vector_store %arg12[%swap3A_475], %add3A_474 {strides = array<i32>} : memref<512xf32, #tpu.memory_space<vmem>>, vector<16xf32>,
    %get3A_477 = arith.constant 2 : i32
    %get3A_478 = arith.index_cast %get3A_477 : i32 to index
    %get3A_479 = arith.constant 112 : index
    %get3A_480 = tpu.vector_load %arg10[%get3A_478, %get3A_479] {strides = array<i32>} : memref<4x128xf32, #tpu.memory_space<vmem>>, vector<16xf32>,
    %get3A_481 = arith.constant 2 : i32
    %get3A_482 = arith.index_cast %get3A_481 : i32 to index
    %get3A_483 = arith.constant 112 : index
    %get3A_484 = tpu.vector_load %arg11[%get3A_482, %get3A_483] {strides = array<i32>} : memref<4x128xf32, #tpu.memory_space<vmem>>, vector<16xf32>,
    %add3A_485 = arith.addf %get3A_480, %get3A_484 : vector<16xf32>
    %add3A_486 = arith.addf %add3A_485, %get3A_201 : vector<16xf32>
    %swap3A_487 = arith.constant 368 : index
    %swap3A_488 = tpu.vector_load %arg12[%swap3A_487] {strides = array<i32>} : memref<512xf32, #tpu.memory_space<vmem>>, vector<16xf32>,
    tpu.vector_store %arg12[%swap3A_487], %add3A_486 {strides = array<i32>} : memref<512xf32, #tpu.memory_space<vmem>>, vector<16xf32>,
    %get3A_489 = arith.constant 3 : i32
    %get3A_490 = arith.index_cast %get3A_489 : i32 to index
    %get3A_491 = arith.constant 0 : index
    %get3A_492 = tpu.vector_load %arg10[%get3A_490, %get3A_491] {strides = array<i32>} : memref<4x128xf32, #tpu.memory_space<vmem>>, vector<16xf32>,
    %get3A_493 = arith.constant 3 : i32
    %get3A_494 = arith.index_cast %get3A_493 : i32 to index
    %get3A_495 = arith.constant 0 : index
    %get3A_496 = tpu.vector_load %arg11[%get3A_494, %get3A_495] {strides = array<i32>} : memref<4x128xf32, #tpu.memory_space<vmem>>, vector<16xf32>,
    %add3A_497 = arith.addf %get3A_492, %get3A_496 : vector<16xf32>
    %add3A_498 = arith.addf %add3A_497, %get3A_201 : vector<16xf32>
    %swap3A_499 = arith.constant 384 : index
    %swap3A_500 = tpu.vector_load %arg12[%swap3A_499] {strides = array<i32>} : memref<512xf32, #tpu.memory_space<vmem>>, vector<16xf32>,
    tpu.vector_store %arg12[%swap3A_499], %add3A_498 {strides = array<i32>} : memref<512xf32, #tpu.memory_space<vmem>>, vector<16xf32>,
    %get3A_501 = arith.constant 3 : i32
    %get3A_502 = arith.index_cast %get3A_501 : i32 to index
    %get3A_503 = arith.constant 16 : index
    %get3A_504 = tpu.vector_load %arg10[%get3A_502, %get3A_503] {strides = array<i32>} : memref<4x128xf32, #tpu.memory_space<vmem>>, vector<16xf32>,
    %get3A_505 = arith.constant 3 : i32
    %get3A_506 = arith.index_cast %get3A_505 : i32 to index
    %get3A_507 = arith.constant 16 : index
    %get3A_508 = tpu.vector_load %arg11[%get3A_506, %get3A_507] {strides = array<i32>} : memref<4x128xf32, #tpu.memory_space<vmem>>, vector<16xf32>,
    %add3A_509 = arith.addf %get3A_504, %get3A_508 : vector<16xf32>
    %add3A_510 = arith.addf %add3A_509, %get3A_201 : vector<16xf32>
    %swap3A_511 = arith.constant 400 : index
    %swap3A_512 = tpu.vector_load %arg12[%swap3A_511] {strides = array<i32>} : memref<512xf32, #tpu.memory_space<vmem>>, vector<16xf32>,
    tpu.vector_store %arg12[%swap3A_511], %add3A_510 {strides = array<i32>} : memref<512xf32, #tpu.memory_space<vmem>>, vector<16xf32>,
    %get3A_513 = arith.constant 3 : i32
    %get3A_514 = arith.index_cast %get3A_513 : i32 to index
    %get3A_515 = arith.constant 32 : index
    %get3A_516 = tpu.vector_load %arg10[%get3A_514, %get3A_515] {strides = array<i32>} : memref<4x128xf32, #tpu.memory_space<vmem>>, vector<16xf32>,
    %get3A_517 = arith.constant 3 : i32
    %get3A_518 = arith.index_cast %get3A_517 : i32 to index
    %get3A_519 = arith.constant 32 : index
    %get3A_520 = tpu.vector_load %arg11[%get3A_518, %get3A_519] {strides = array<i32>} : memref<4x128xf32, #tpu.memory_space<vmem>>, vector<16xf32>,
    %add3A_521 = arith.addf %get3A_516, %get3A_520 : vector<16xf32>
    %add3A_522 = arith.addf %add3A_521, %get3A_201 : vector<16xf32>
    %swap3A_523 = arith.constant 416 : index
    %swap3A_524 = tpu.vector_load %arg12[%swap3A_523] {strides = array<i32>} : memref<512xf32, #tpu.memory_space<vmem>>, vector<16xf32>,
    tpu.vector_store %arg12[%swap3A_523], %add3A_522 {strides = array<i32>} : memref<512xf32, #tpu.memory_space<vmem>>, vector<16xf32>,
    %get3A_525 = arith.constant 3 : i32
    %get3A_526 = arith.index_cast %get3A_525 : i32 to index
    %get3A_527 = arith.constant 48 : index
    %get3A_528 = tpu.vector_load %arg10[%get3A_526, %get3A_527] {strides = array<i32>} : memref<4x128xf32, #tpu.memory_space<vmem>>, vector<16xf32>,
    %get3A_529 = arith.constant 3 : i32
    %get3A_530 = arith.index_cast %get3A_529 : i32 to index
    %get3A_531 = arith.constant 48 : index
    %get3A_532 = tpu.vector_load %arg11[%get3A_530, %get3A_531] {strides = array<i32>} : memref<4x128xf32, #tpu.memory_space<vmem>>, vector<16xf32>,
    %add3A_533 = arith.addf %get3A_528, %get3A_532 : vector<16xf32>
    %add3A_534 = arith.addf %add3A_533, %get3A_201 : vector<16xf32>
    %swap3A_535 = arith.constant 432 : index
    %swap3A_536 = tpu.vector_load %arg12[%swap3A_535] {strides = array<i32>} : memref<512xf32, #tpu.memory_space<vmem>>, vector<16xf32>,
    tpu.vector_store %arg12[%swap3A_535], %add3A_534 {strides = array<i32>} : memref<512xf32, #tpu.memory_space<vmem>>, vector<16xf32>,
    %get3A_537 = arith.constant 3 : i32
    %get3A_538 = arith.index_cast %get3A_537 : i32 to index
    %get3A_539 = arith.constant 64 : index
    %get3A_540 = tpu.vector_load %arg10[%get3A_538, %get3A_539] {strides = array<i32>} : memref<4x128xf32, #tpu.memory_space<vmem>>, vector<16xf32>,
    %get3A_541 = arith.constant 3 : i32
    %get3A_542 = arith.index_cast %get3A_541 : i32 to index
    %get3A_543 = arith.constant 64 : index
    %get3A_544 = tpu.vector_load %arg11[%get3A_542, %get3A_543] {strides = array<i32>} : memref<4x128xf32, #tpu.memory_space<vmem>>, vector<16xf32>,
    %add3A_545 = arith.addf %get3A_540, %get3A_544 : vector<16xf32>
    %add3A_546 = arith.addf %add3A_545, %get3A_201 : vector<16xf32>
    %swap3A_547 = arith.constant 448 : index
    %swap3A_548 = tpu.vector_load %arg12[%swap3A_547] {strides = array<i32>} : memref<512xf32, #tpu.memory_space<vmem>>, vector<16xf32>,
    tpu.vector_store %arg12[%swap3A_547], %add3A_546 {strides = array<i32>} : memref<512xf32, #tpu.memory_space<vmem>>, vector<16xf32>,
    %get3A_549 = arith.constant 3 : i32
    %get3A_550 = arith.index_cast %get3A_549 : i32 to index
    %get3A_551 = arith.constant 80 : index
    %get3A_552 = tpu.vector_load %arg10[%get3A_550, %get3A_551] {strides = array<i32>} : memref<4x128xf32, #tpu.memory_space<vmem>>, vector<16xf32>,
    %get3A_553 = arith.constant 3 : i32
    %get3A_554 = arith.index_cast %get3A_553 : i32 to index
    %get3A_555 = arith.constant 80 : index
    %get3A_556 = tpu.vector_load %arg11[%get3A_554, %get3A_555] {strides = array<i32>} : memref<4x128xf32, #tpu.memory_space<vmem>>, vector<16xf32>,
    %add3A_557 = arith.addf %get3A_552, %get3A_556 : vector<16xf32>
    %add3A_558 = arith.addf %add3A_557, %get3A_201 : vector<16xf32>
    %swap3A_559 = arith.constant 464 : index
    %swap3A_560 = tpu.vector_load %arg12[%swap3A_559] {strides = array<i32>} : memref<512xf32, #tpu.memory_space<vmem>>, vector<16xf32>,
    tpu.vector_store %arg12[%swap3A_559], %add3A_558 {strides = array<i32>} : memref<512xf32, #tpu.memory_space<vmem>>, vector<16xf32>,
    %get3A_561 = arith.constant 3 : i32
    %get3A_562 = arith.index_cast %get3A_561 : i32 to index
    %get3A_563 = arith.constant 96 : index
    %get3A_564 = tpu.vector_load %arg10[%get3A_562, %get3A_563] {strides = array<i32>} : memref<4x128xf32, #tpu.memory_space<vmem>>, vector<16xf32>,
    %get3A_565 = arith.constant 3 : i32
    %get3A_566 = arith.index_cast %get3A_565 : i32 to index
    %get3A_567 = arith.constant 96 : index
    %get3A_568 = tpu.vector_load %arg11[%get3A_566, %get3A_567] {strides = array<i32>} : memref<4x128xf32, #tpu.memory_space<vmem>>, vector<16xf32>,
    %add3A_569 = arith.addf %get3A_564, %get3A_568 : vector<16xf32>
    %add3A_570 = arith.addf %add3A_569, %get3A_201 : vector<16xf32>
    %swap3A_571 = arith.constant 480 : index
    %swap3A_572 = tpu.vector_load %arg12[%swap3A_571] {strides = array<i32>} : memref<512xf32, #tpu.memory_space<vmem>>, vector<16xf32>,
    tpu.vector_store %arg12[%swap3A_571], %add3A_570 {strides = array<i32>} : memref<512xf32, #tpu.memory_space<vmem>>, vector<16xf32>,
    %get3A_573 = arith.constant 3 : i32
    %get3A_574 = arith.index_cast %get3A_573 : i32 to index
    %get3A_575 = arith.constant 112 : index
    %get3A_576 = tpu.vector_load %arg10[%get3A_574, %get3A_575] {strides = array<i32>} : memref<4x128xf32, #tpu.memory_space<vmem>>, vector<16xf32>,
    %get3A_577 = arith.constant 3 : i32
    %get3A_578 = arith.index_cast %get3A_577 : i32 to index
    %get3A_579 = arith.constant 112 : index
    %get3A_580 = tpu.vector_load %arg11[%get3A_578, %get3A_579] {strides = array<i32>} : memref<4x128xf32, #tpu.memory_space<vmem>>, vector<16xf32>,
    %add3A_581 = arith.addf %get3A_576, %get3A_580 : vector<16xf32>
    %add3A_582 = arith.addf %add3A_581, %get3A_201 : vector<16xf32>
    %swap3A_583 = arith.constant 496 : index
    %swap3A_584 = tpu.vector_load %arg12[%swap3A_583] {strides = array<i32>} : memref<512xf32, #tpu.memory_space<vmem>>, vector<16xf32>,
    tpu.vector_store %arg12[%swap3A_583], %add3A_582 {strides = array<i32>} : memref<512xf32, #tpu.memory_space<vmem>>, vector<16xf32>,
    "tpu.region"() ({
      %run_scoped3A = tpu.sem_alloc : memref<!tpu.dma_semaphore, #tpu.memory_space<semaphore_mem>>
      %dma_start3A_585 = tpu.memref_slice %arg7[%mul3A_2] : memref<16384xf32, #tpu.memory_space<hbm>> -> memref<512xf32, #tpu.memory_space<hbm>>
      %dma_start3A_586 = tpu.memref_slice %arg7[%mul3A_2] : memref<16384xf32, #tpu.memory_space<hbm>> -> memref<512xf32, #tpu.memory_space<hbm>>
      tpu.enqueue_dma source(%arg12 : memref<512xf32, #tpu.memory_space<vmem>>) target(%dma_start3A_586 : memref<512xf32, #tpu.memory_space<hbm>>) target_semaphore(%run_scoped3A : memref<!tpu.dma_semaphore, #tpu.memory_space<semaphore_mem>>)
      %dma_wait3A_587 = tpu.memref_slice %arg7[%mul3A_2] : memref<16384xf32, #tpu.memory_space<hbm>> -> memref<512xf32, #tpu.memory_space<hbm>>
      %dma_wait3A_588 = tpu.memref_slice %arg7[%mul3A_2] : memref<16384xf32, #tpu.memory_space<hbm>> -> memref<512xf32, #tpu.memory_space<hbm>>
      tpu.wait_dma2 semaphore(%run_scoped3A : memref<!tpu.dma_semaphore, #tpu.memory_space<semaphore_mem>>) src(%arg12 : memref<512xf32, #tpu.memory_space<vmem>>) dst(%dma_wait3A_588 : memref<512xf32, #tpu.memory_space<hbm>>)
      tpu.yield
    }) : () -> ()
    return
  }
}

</mosaic_0001>

<sc_bundles>
// kernel: kernel.3.cloned.1.call-start
scs
__scs_entry_jumppad:
0x0: {  	(pc) =	sbr.rel $0x88, $3  }
0x1: {  	(tag) =	ssettag $0x0;
	lr =	simm.s32 $0x1  }
0x2: {  	[smem:$0x3F9C] =	sst lr;
	_ =	strace $0xD0000000  }
0x3: {  	_ = 	snop  }
0x4: {  	_ = 	snop  }
0x5: {  	_ = 	snop  }
0x6: {  	_ = 	snop  }
0x7: {  	_ = 	snop  }
__scs_overlays_trampoline_lowered:
0x8: {  	[smem:$0x3FAB] =	sst s0  }
0x9: {  	[smem:$0x3FAC] =	sst s1  }
0xa: {  	[smem:$0x3FAD] =	sst s2  }
0xb: {  	[smem:$0x3FAE] =	sst s3  }
0xc: {  	[smem:$0x3FAF] =	sst s4  }
0xd: {  	[smem:$0x3FB0] =	sst s5  }
0xe: {  	[smem:$0x3FB1] =	sst s6  }
0xf: {  	[smem:$0x3FB2] =	sst s7  }
0x10: {  	[smem:$0x3FB3] =	sst s8  }
0x11: {  	[smem:$0x3FB4] =	sst s9;
	s0 =	simm.s32 @!p0 $0x0  }
0x12: {  	s1 =	sld [smem:$0x3F9A];
	s0 =	simm.s32 @p0 $0x1  }
0x13: {  	[smem:$0x3FB5] =	sst s0;
	s0 =	simm.s32 @!p1 $0x0  }
0x14: {  	s2 =	sld [smem:$0x3F99];
	s0 =	simm.s32 @p1 $0x1  }
0x15: {  	[smem:$0x3FB6] =	sst s0;
	s0 =	simm.s32 @!p2 $0x0  }
0x16: {  	s3 =	sld [smem:$0x3FDB];
	s0 =	simm.s32 @p2 $0x1  }
0x17: {  	s4 =	simm.s32 $0x1BF5;
	[smem:$0x3FB8] =	sst s0  }
0x18: {  	s0 =	sld [smem:$0x3F9B];
	_ =	swait.ge [sflag:s4], $0x0  }
0x19: {  	s7 =	sld [smem:$0x3F9C]  }
0x1a: {  	s8 =	sadd.s32 $0xFFFFE003, lr  }
0x1b: {  	s9 =	sadd.s32 $0xFFFFFEF7, lr;
	s5 =	simm.s32 $0xFFFFFFFF;
	p2 =	slt.u32 s8, $0xFFFFF086  }
0x1c: {  	p1 =	slt.u32 s9, $0xF7A;
	s5 =	simm.s32 @!p2 $0x0  }
0x1d: {  	s5 =	simm.s32 @p1 $0x1;
	p0 =	seq.s32 s7, s2  }
0x1e: {  	s7 =	smul.u32 @!p0 $0xF7A, s2;
	p2 =	seq.s32 @!p0 s5, $0x0  }
0x1f: {  	s9 =	smul.u32 $0xF7A, s1;
	s8 =	simm.s32 @!p0 $0x1BF5;
	p2 =	por !p2, p0  }
0x20: {  	[sflag:s8] =	ssyncset.s32 @!p0 $0xFFFFF086;
	s6 =	sadd.s32 @!p0 s3, s7;
	s7 =	simm.s32 @!p0 $0x108  }
0x21: {  	s3 =	sadd.s32 s3, s9;
	s6 =	sadd.s32 @!p0 $0x88, s6;
	s7 =	simm.s32 @p2 $0x1082  }
0x22: {  	[simem:s7], [sflag:s8] =	dma.local @!p0 [hbm:s6], $0xF7A  }
0x23: {  	s9 =	sor.u32 $0xD0000000, s2;
	s6 =	simm.s32 $0x108;
	_ =	swait.ge @!p0 [sflag:s8], $0x0  }
0x24: {  	s3 =	sadd.s32 $0x88, s3;
	s6 =	simm.s32 @!p1 $0x1082;
	[sflag:s4] =	ssyncset.s32 $0xFFFFF086  }
0x25: {  	[simem:s6], [sflag:s4] =	dma.local [hbm:s3], $0xF7A  }
0x26: {  	[smem:$0x3F9C] =	sst s1;
	(tag) =	ssettag s2;
	_ =	strace s9  }
0x27: {  	s1 =	sld [smem:$0x3FAC]  }
0x28: {  	s2 =	sld [smem:$0x3FAD]  }
0x29: {  	s4 =	sld [smem:$0x3FAF]  }
0x2a: {  	p0 =	seq.s32 s5, $0x0;
	s5 =	sld [smem:$0x3FB0]  }
0x2b: {  	s6 =	sld [smem:$0x3FB1]  }
0x2c: {  	s7 =	sld [smem:$0x3FB2]  }
0x2d: {  	s3 =	simm.s32 $0x108;
	s8 =	sld [smem:$0x3FB3]  }
0x2e: {  	s3 =	simm.s32 @!p0 $0x1082;
	s9 =	sld [smem:$0x3FB4]  }
0x2f: {  	lr =	sadd.s32 s0, s3;
	s0 =	sld [smem:$0x3FAB]  }
0x30: {  	s3 =	sld [smem:$0x3FAE]  }
0x31: {  	[smem:$0x3FB7] =	sst s10  }
0x32: {  	s10 =	sld [smem:$0x3FB5];
	_ =	sdelay $0x3  }
0x33: {  	p0 =	seq.s32 s10, $0x1;
	s10 =	sld [smem:$0x3FB7];
	_ =	sdelay $0x3  }
0x34: {  	[smem:$0x3FB7] =	sst s10  }
0x35: {  	s10 =	sld [smem:$0x3FB6];
	_ =	sdelay $0x3  }
0x36: {  	p1 =	seq.s32 s10, $0x1;
	s10 =	sld [smem:$0x3FB7];
	_ =	sdelay $0x3  }
0x37: {  	[smem:$0x3FB7] =	sst s10  }
0x38: {  	s10 =	sld [smem:$0x3FB8]  }
0x39: {  	_ = 	snop;
	(pc) =	sbr.ind lr, $3  }
0x3a: {  	_ = 	snop  }
0x3b: {  	_ = 	snop  }
0x3c: {  	p2 =	seq.s32 s10, $0x1;
	s10 =	sld [smem:$0x3FB7]  }
0x3d: {  	_ =	shalt  }
0x3e: {  	_ =	shalt  }
0x3f: {  	_ =	shalt  }
0x40: {  	_ =	shalt  }
0x41: {  	_ =	shalt  }
0x42: {  	_ =	shalt  }
0x43: {  	_ =	shalt  }
0x44: {  	_ =	shalt  }
0x45: {  	_ =	shalt  }
0x46: {  	_ =	shalt  }
0x47: {  	_ =	shalt  }
0x48: {  	_ =	shalt  }
0x49: {  	_ =	shalt  }
0x4a: {  	_ =	shalt  }
0x4b: {  	_ =	shalt  }
0x4c: {  	_ =	shalt  }
0x4d: {  	_ =	shalt  }
0x4e: {  	_ =	shalt  }
0x4f: {  	_ =	shalt  }
0x50: {  	_ =	shalt  }
0x51: {  	_ =	shalt  }
0x52: {  	_ =	shalt  }
0x53: {  	_ =	shalt  }
0x54: {  	_ =	shalt  }
0x55: {  	_ =	shalt  }
0x56: {  	_ =	shalt  }
0x57: {  	_ =	shalt  }
0x58: {  	_ =	shalt  }
0x59: {  	_ =	shalt  }
0x5a: {  	_ =	shalt  }
0x5b: {  	_ =	shalt  }
0x5c: {  	_ =	shalt  }
0x5d: {  	_ =	shalt  }
0x5e: {  	_ =	shalt  }
0x5f: {  	_ =	shalt  }
0x60: {  	_ =	shalt  }
0x61: {  	_ =	shalt  }
0x62: {  	_ =	shalt  }
0x63: {  	_ =	shalt  }
0x64: {  	_ =	shalt  }
0x65: {  	_ =	shalt  }
0x66: {  	_ =	shalt  }
0x67: {  	_ =	shalt  }
0x68: {  	_ =	shalt  }
0x69: {  	_ =	shalt  }
0x6a: {  	_ =	shalt  }
0x6b: {  	_ =	shalt  }
0x6c: {  	_ =	shalt  }
0x6d: {  	_ =	shalt  }
0x6e: {  	_ =	shalt  }
0x6f: {  	_ =	shalt  }
0x70: {  	_ =	shalt  }
0x71: {  	_ =	shalt  }
0x72: {  	_ =	shalt  }
0x73: {  	_ =	shalt  }
0x74: {  	_ =	shalt  }
0x75: {  	_ =	shalt  }
0x76: {  	_ =	shalt  }
0x77: {  	_ =	shalt  }
0x78: {  	_ =	shalt  }
0x79: {  	_ =	shalt  }
0x7a: {  	_ =	shalt  }
0x7b: {  	_ =	shalt  }
0x7c: {  	_ =	shalt  }
0x7d: {  	_ =	shalt  }
0x7e: {  	_ =	shalt  }
0x7f: {  	_ =	shalt  }
0x80: {  	_ =	shalt  }
0x81: {  	_ =	shalt  }
0x82: {  	_ =	shalt  }
0x83: {  	_ =	shalt  }
0x84: {  	_ =	shalt  }
0x85: {  	_ =	shalt  }
0x86: {  	_ =	shalt  }
0x87: {  	_ =	shalt  }
.Lfunc_end0:
.L_simem_size_0:
called_computation_lowered:
.L_overlay_start_0:
0x88: {  	s2 =	sld [smem:$0x3FD9]  }
0x89: {  	s3 =	sld [smem:$0x3FFE];
	_ =	sdelay $0x1  }
0x8a: {  	s1 =	srdreg.scid  }
0x8b: {  	s0 =	sand.u32 $0x1, s1  }
0x8c: {  	s17 =	sshll.u32 s0, $0xA;
	s2 =	sadd.s32 s3, s2  }
0x8d: {  	s2 =	sadd.s32 s2, s17  }
0x8e: {  	[smem:$0x3FC3] =	sst s2  }
0x8f: {  	_ = 	snop  }
0x90: {  	s2 =	sld [smem:$0x3FC9]  }
0x91: {  	s18 =	sld [smem:$0x3FC8]  }
0x92: {  	s4 =	sld [smem:$0x3FD0];
	(tm) =	ssettm $0x1  }
0x93: {  	s5 =	sld [smem:$0x3FFB];
	_ =	sdelay $0x3  }
0x94: {  	_ =	strace s5  }
0x95: {  	s5 =	sld [smem:$0x3FFC];
	_ =	sdelay $0x3  }
0x96: {  	_ =	strace s5  }
0x97: {  	s5 =	sld [smem:$0x3FFD];
	_ =	sdelay $0x3  }
0x98: {  	_ =	strace s5  }
0x99: {  	_ =	strace $0x8FFFFFFF  }
0x9a: {  	s19 =	sld [smem:$0x3FDB];
	_ =	sdelay $0x1  }
0x9b: {  	s6 =	simm.s32 $_scs_section_size  }
0x9c: {  	s7 =	simm.s32 $_size__tile_overlayer_lowered;
	s8 =	simm.s32 $_tile_overlayer_lowered  }
0x9d: {  	s22 =	simm.s32 $0x1BFF;
	s21 =	sshll.u32 s8, $0x1;
	s5 =	sadd.s32 s6, s19  }
0x9e: {  	s9 =	simm.s32 $0x0;
	s20 =	sshll.u32 s7, $0x1;
	s7 =	sadd.s32 s21, s5  }
0x9f: {  	[timem:s9], [sflag:s22] =	dma.local [hbm:s7], s20  }
0xa0: {  	_ =	swait.ge [sflag:s22], s20  }
0xa1: {  	s6 =	ssub.s32 $0x0, s20;
	[sflag:s22] =	ssyncset.done $0x0  }
0xa2: {  	[sflag:s22] =	ssyncadd.s32 s6;
	_ =	sdelay $0x1  }
0xa3: {  	s23 =	simm.s32 $0x1B8B  }
0xa4: {  	_ =	swait.ge [sflag:s23], $0x1  }
0xa5: {  	[sflag:s23] =	ssyncset.done $0x0  }
0xa6: {  	s25 =	simm.s32 $0x1B8E;
	s24 =	sld [smem:$0x3FFE];
	[sflag:s23] =	ssyncadd.s32 $0xFFFFFFFF  }
0xa7: {  	s26 =	simm.s32 $execute0_lowered;
	[smem:$0x3FD2] =	sst s25  }
0xa8: {  	s7 =	sshll.u32 s26, $0x1;
	_ =	strace $0x80000046;
	[dreg:$0x1] =	wrdreg $0xFFFFFFFF  }
0xa9: {  	s28 =	simm.s32 $_size_execute0_lowered;
	s5 =	sadd.s32 s5, s7;
	[dreg:$0x0] =	wrdreg $0x0  }
0xaa: {  	s7 =	sshll.u32 s28, $0x1;
	[dreg:$0x2] =	wrdreg s5  }
0xab: {  	[dreg:$0x3] =	wrdreg s7  }
0xac: {  	[dreg:$0x4] =	wrdreg $0xC0  }
0xad: {  	_ =	task [dreg:s9], $0x5FFFF  }
0xae: {  	[dreg:$0x1] =	wrdreg $0xFFFFFFFF  }
0xaf: {  	[dreg:$0x0] =	wrdreg $0x60  }
0xb0: {  	[dreg:$0x2] =	wrdreg s2  }
0xb1: {  	[dreg:$0x3] =	wrdreg s18  }
0xb2: {  	[dreg:$0x4] =	wrdreg s24  }
0xb3: {  	[dreg:$0x5] =	wrdreg s4  }
0xb4: {  	[dreg:$0x6] =	wrdreg $0x9  }
0xb5: {  	_ =	task.clear_ibuf [dreg:s9], $0x7FFFF;
	_ =	strace $0x90000046  }
0xb6: {  	s29 =	simm.s32 $0x9;
	_ =	strace $0x80000048  }
0xb7: {  	_ =	swait.ge [sflag:s29], $0x1  }
0xb8: {  	[sflag:s29] =	ssyncadd.s32 $0xFFFFFFFF  }
0xb9: {  	_ =	strace $0x90000048  }
0xba: {  	_ =	sfence  }
0xbb: {  	s30 =	sld [smem:$0x0];
	_ =	sdelay $0x2  }
0xbc: {  	s31 =	sshll.u32 s1, $0xD;
	s1 =	sshrl.u32 s1, $0x2  }
0xbd: {  	s3 =	sand.u32 $0x4000, s31;
	s1 =	sadd.s32 s1, s30  }
0xbe: {  	s0 =	sor.u32 s3, s0;
	s1 =	sshll.u32 s1, $0x11  }
0xbf: {  	s0 =	sor.u32 s1, s0  }
0xc0: {  	s0 =	sadd.s32 $0x8F2B, s0  }
0xc1: {  	[sflag:s0] =	ssyncadd.remote.s32 $0x1  }
0xc2: {  	_ =	sfence.sel $0xFFFF  }
0xc3: {  	[dreg:$0x0] =	wrdreg $0xFFFFFFFF;
	(pc) =	sbr.abs _section_cstart, $3  }
0xc4: {  	[dreg:$0x1] =	wrdreg $0xFFFFFFFF  }
0xc5: {  	_ =	task.clear_ibuf [dreg:s9], $0x2FFFF;
	_ =	strace $0x9FFFFFFF  }
0xc6: {  	(tm) =	ssettm $0x7FFFFFFF  }
0xc7: {  	_ =	shalt  }
tec
execute0_lowered:
.L_overlay_start_1:
0x0: {  	(tag) =	ssettag $0x1  }
0x1: {  	s6 =	rddreg [dreg:$0x0]  }
0x2: {  	s7 =	rddreg [dreg:$0x1]  }
0x3: {  	s1 =	rddreg [dreg:$0x2]  }
0x4: {  	s8 =	rddreg [dreg:$0x3]  }
0x5: {  	s0 =	rddreg [dreg:$0x4];
	s2 =	simm.s32 $0x0  }
0x6: {  	s5 =	srdreg.scid;
	s3 =	stileid.u32;
	s13 =	simm.s32 $0x1  }
0x7: {  	s14 =	simm.s32 $0x80;
	s15 =	simm.s32 $0x400;
	s16 =	simm.s32 $0x600  }
0x8: {  	s17 =	simm.s32 $0x480;
	s18 =	simm.s32 $0x280;
	s19 =	simm.s32 $0x680  }
0x9: {  	s20 =	simm.s32 $0x100;
	s21 =	simm.s32 $0x500;
	s22 =	simm.s32 $0x300  }
0xa: {  	s23 =	simm.s32 $0x700;
	s24 =	simm.s32 $0x180;
	s25 =	simm.s32 $0x580  }
0xb: {  	s26 =	simm.s32 $0x380;
	s28 =	simm.s32 $0x780;
	s29 =	simm.s32 $0x800  }
0xc: {  	[smem:$0x7FF] =	sst s2;
	s4 =	sadd.s32 $0x3200, s1;
	s5 =	sand.u32 $0x1, s5  }
0xd: {  	s10 =	sshll.u32 s3, $0x7;
	_ =	strace $0x80000047;
	s9 =	ssub.s32 $0x2, s5  }
0xe: {  	s11 =	sshll.u32 s5, $0x6;
	s5 =	sadd.s32 $0x21C00, s1;
	s12 =	sshrl.u32 s9, $0x1  }
0xf: {  	s10 =	sor.u32 s11, s10;
	s11 =	simm.s32 $0xA00;
	s9 =	ssub.s32 s9, s12  }
0x10: {  	s6 =	sadd.s32 s6, s10;
	s7 =	sadd.s32 s7, s10;
	s8 =	sadd.s32 s8, s10  }
0x11: {  	s10 =	simm.s32 $0x200;
	s12 =	simm.s32 $0x2;
	s9 =	smax.u32 s9, $0x1  }
.LBB2_1:
0x12: {  	[tilespmem:s2], [sflag:$0x1] =	stream.linear.gather [hbm4b:s6+s2], $0x200, $0x38;
	[tilespmem:$0xA10] =	vst v63  }
0x13: {  	_ = 	snop  }
0x14: {  	[tilespmem:s10], [sflag:$0x1] =	stream.linear.gather [hbm4b:s7+s2], $0x200, $0x38;
	[tilespmem:$0xA10] =	vst v63  }
0x15: {  	_ = 	snop  }
0x16: {  	[tilespmem:s11], [sflag:$0x2] =	stream.linear.gather [hbm4b:s5+s2], $0x10, $0x38;
	[tilespmem:$0xA10] =	vst v63  }
0x17: {  	_ =	swait.ge [sflag:s12], $0x10  }
0x18: {  	[sflag:s12] =	ssyncset.done $0x0  }
0x19: {  	[sflag:s12] =	ssyncadd.s32 $0xFFFFFFF0  }
0x1a: {  	_ =	swait.ge [sflag:s13], $0x200  }
0x1b: {  	[sflag:s13] =	ssyncset.done $0x0  }
0x1c: {  	[sflag:s13] =	ssyncadd.s32 $0xFFFFFE00  }
0x1d: {  	_ =	swait.ge [sflag:s13], $0x200  }
0x1e: {  	[sflag:s13] =	ssyncset.done $0x0  }
0x1f: {  	[sflag:s13] =	ssyncadd.s32 $0xFFFFFE00  }
0x20: {  	[tilespmem:s15], [sflag:$0x1] =	stream.indirect.gather [hbm4b:s4+s14], $0x1, s2, s14, $0xb8;
	[tilespmem:$0xA10] =	vst v63  }
0x21: {  	_ = 	snop  }
0x22: {  	[tilespmem:s16], [sflag:$0x1] =	stream.indirect.gather [hbm4b:s1+s14], $0x1, s10, s14, $0xb8;
	[tilespmem:$0xA10] =	vst v63  }
0x23: {  	_ = 	snop  }
0x24: {  	[tilespmem:s17], [sflag:$0x1] =	stream.indirect.gather [hbm4b:s4+s14], $0x1, s14, s14, $0xb8;
	[tilespmem:$0xA10] =	vst v63  }
0x25: {  	_ = 	snop  }
0x26: {  	[tilespmem:s19], [sflag:$0x1] =	stream.indirect.gather [hbm4b:s1+s14], $0x1, s18, s14, $0xb8;
	[tilespmem:$0xA10] =	vst v63  }
0x27: {  	_ = 	snop  }
0x28: {  	[tilespmem:s21], [sflag:$0x1] =	stream.indirect.gather [hbm4b:s4+s14], $0x1, s20, s14, $0xb8;
	[tilespmem:$0xA10] =	vst v63  }
0x29: {  	_ = 	snop  }
0x2a: {  	[tilespmem:s23], [sflag:$0x1] =	stream.indirect.gather [hbm4b:s1+s14], $0x1, s22, s14, $0xb8;
	[tilespmem:$0xA10] =	vst v63  }
0x2b: {  	_ = 	snop  }
0x2c: {  	[tilespmem:s25], [sflag:$0x1] =	stream.indirect.gather [hbm4b:s4+s14], $0x1, s24, s14, $0xb8;
	[tilespmem:$0xA10] =	vst v63  }
0x2d: {  	_ = 	snop  }
0x2e: {  	[tilespmem:s28], [sflag:$0x1] =	stream.indirect.gather [hbm4b:s1+s14], $0x1, s26, s14, $0xb8;
	[tilespmem:$0xA10] =	vst v63  }
0x2f: {  	_ =	swait.ge [sflag:s13], $0x80  }
0x30: {  	[sflag:s13] =	ssyncset.done $0x0  }
0x31: {  	[sflag:s13] =	ssyncadd.s32 $0xFFFFFF80  }
0x32: {  	_ =	swait.ge [sflag:s13], $0x80  }
0x33: {  	[sflag:s13] =	ssyncset.done $0x0  }
0x34: {  	[sflag:s13] =	ssyncadd.s32 $0xFFFFFF80  }
0x35: {  	_ =	swait.ge [sflag:s13], $0x80  }
0x36: {  	[sflag:s13] =	ssyncset.done $0x0  }
0x37: {  	[sflag:s13] =	ssyncadd.s32 $0xFFFFFF80  }
0x38: {  	_ =	swait.ge [sflag:s13], $0x80  }
0x39: {  	[sflag:s13] =	ssyncset.done $0x0  }
0x3a: {  	[sflag:s13] =	ssyncadd.s32 $0xFFFFFF80  }
0x3b: {  	_ =	swait.ge [sflag:s13], $0x80  }
0x3c: {  	[sflag:s13] =	ssyncset.done $0x0  }
0x3d: {  	[sflag:s13] =	ssyncadd.s32 $0xFFFFFF80  }
0x3e: {  	_ =	swait.ge [sflag:s13], $0x80  }
0x3f: {  	[sflag:s13] =	ssyncset.done $0x0  }
0x40: {  	[sflag:s13] =	ssyncadd.s32 $0xFFFFFF80  }
0x41: {  	_ =	swait.ge [sflag:s13], $0x80  }
0x42: {  	[sflag:s13] =	ssyncset.done $0x0  }
0x43: {  	[sflag:s13] =	ssyncadd.s32 $0xFFFFFF80  }
0x44: {  	_ =	swait.ge [sflag:s13], $0x80  }
0x45: {  	[sflag:s13] =	ssyncset.done $0x0  }
0x46: {  	[sflag:s13] =	ssyncadd.s32 $0xFFFFFF80  }
0x47: {  	v0 =	vld [tilespmem:$0xA00]  }
0x48: {  	v1 =	vld [tilespmem:$0x400]  }
0x49: {  	v2 =	vld [tilespmem:$0x600]  }
0x4a: {  	v3 =	vld [tilespmem:$0x410]  }
0x4b: {  	v4 =	vld [tilespmem:$0x610]  }
0x4c: {  	v5 =	vld [tilespmem:$0x420]  }
0x4d: {  	v6 =	vld [tilespmem:$0x620]  }
0x4e: {  	v7 =	vld [tilespmem:$0x430]  }
0x4f: {  	v8 =	vld [tilespmem:$0x630]  }
0x50: {  	v9 =	vld [tilespmem:$0x440]  }
0x51: {  	v10 =	vld [tilespmem:$0x640]  }
0x52: {  	v11 =	vld [tilespmem:$0x450]  }
0x53: {  	v12 =	vld [tilespmem:$0x650]  }
0x54: {  	v13 =	vld [tilespmem:$0x460]  }
0x55: {  	v14 =	vld [tilespmem:$0x660]  }
0x56: {  	v15 =	vld [tilespmem:$0x470]  }
0x57: {  	v16 =	vld [tilespmem:$0x670]  }
0x58: {  	v17 =	vld [tilespmem:$0x480]  }
0x59: {  	v18 =	vld [tilespmem:$0x680]  }
0x5a: {  	v19 =	vld [tilespmem:$0x490]  }
0x5b: {  	v20 =	vld [tilespmem:$0x690]  }
0x5c: {  	v21 =	vld [tilespmem:$0x4A0]  }
0x5d: {  	v22 =	vld [tilespmem:$0x6A0]  }
0x5e: {  	v23 =	vld [tilespmem:$0x4B0]  }
0x5f: {  	v24 =	vld [tilespmem:$0x6B0]  }
0x60: {  	v25 =	vld [tilespmem:$0x4C0]  }
0x61: {  	v26 =	vld [tilespmem:$0x6C0]  }
0x62: {  	v27 =	vld [tilespmem:$0x4D0]  }
0x63: {  	v28 =	vld [tilespmem:$0x6D0]  }
0x64: {  	v29 =	vld [tilespmem:$0x4E0]  }
0x65: {  	v30 =	vld [tilespmem:$0x6E0]  }
0x66: {  	v31 =	vld [tilespmem:$0x4F0]  }
0x67: {  	v32 =	vld [tilespmem:$0x6F0]  }
0x68: {  	v33 =	vld [tilespmem:$0x500]  }
0x69: {  	v34 =	vld [tilespmem:$0x700]  }
0x6a: {  	v35 =	vld [tilespmem:$0x510]  }
0x6b: {  	v36 =	vld [tilespmem:$0x710]  }
0x6c: {  	v37 =	vld [tilespmem:$0x520]  }
0x6d: {  	v45 =	vld [tilespmem:$0x760];
	v1 =	vadd.f32 v2, v1;
	v3 =	vadd.f32 v4, v3  }
0x6e: {  	v48 =	vld [tilespmem:$0x570];
	v5 =	vadd.f32 v6, v5;
	v7 =	vadd.f32 v8, v7  }
0x6f: {  	v51 =	vld [tilespmem:$0x770];
	v62 =	vadd.f32 v10, v9;
	v1 =	vadd.f32 v1, v0  }
0x70: {  	v54 =	vld [tilespmem:$0x580];
	v38 =	vadd.f32 v12, v11;
	v3 =	vadd.f32 v3, v0  }
0x71: {  	v57 =	vld [tilespmem:$0x780];
	v40 =	vadd.f32 v14, v13;
	v61 =	vadd.f32 v5, v0;
	[tilespmem:$0x800] =	vst v1  }
0x72: {  	v60 =	vld [tilespmem:$0x590];
	v42 =	vadd.f32 v16, v15;
	v63 =	vadd.f32 v7, v0;
	[tilespmem:$0x810] =	vst v3  }
0x73: {  	v2 =	vld [tilespmem:$0x720];
	v44 =	vadd.f32 v18, v17;
	v39 =	vadd.f32 v62, v0;
	[tilespmem:$0x820] =	vst v61  }
0x74: {  	v4 =	vld [tilespmem:$0x530];
	v47 =	vadd.f32 v20, v19;
	v41 =	vadd.f32 v38, v0;
	[tilespmem:$0x830] =	vst v63  }
0x75: {  	v6 =	vld [tilespmem:$0x730];
	v50 =	vadd.f32 v22, v21;
	v43 =	vadd.f32 v40, v0;
	[tilespmem:$0x840] =	vst v39  }
0x76: {  	v8 =	vld [tilespmem:$0x540];
	v53 =	vadd.f32 v24, v23;
	v46 =	vadd.f32 v42, v0;
	[tilespmem:$0x850] =	vst v41  }
0x77: {  	v9 =	vld [tilespmem:$0x740];
	v56 =	vadd.f32 v26, v25;
	v49 =	vadd.f32 v44, v0;
	[tilespmem:$0x860] =	vst v43  }
0x78: {  	v10 =	vld [tilespmem:$0x550];
	v59 =	vadd.f32 v28, v27;
	v52 =	vadd.f32 v47, v0;
	[tilespmem:$0x870] =	vst v46  }
0x79: {  	v11 =	vld [tilespmem:$0x750];
	v25 =	vadd.f32 v32, v31;
	v55 =	vadd.f32 v50, v0;
	[tilespmem:$0x880] =	vst v49  }
0x7a: {  	v12 =	vld [tilespmem:$0x560];
	v28 =	vadd.f32 v34, v33;
	v58 =	vadd.f32 v53, v0;
	[tilespmem:$0x890] =	vst v52  }
0x7b: {  	v26 =	vld [tilespmem:$0x5A0];
	v31 =	vadd.f32 v36, v35;
	v24 =	vadd.f32 v59, v0;
	[tilespmem:$0x8A0] =	vst v55  }
0x7c: {  	v32 =	vld [tilespmem:$0x5B0];
	v62 =	vadd.f32 v30, v29;
	v30 =	vadd.f32 v25, v0;
	[tilespmem:$0x8B0] =	vst v58  }
0x7d: {  	v34 =	vld [tilespmem:$0x7B0];
	v33 =	vadd.f32 v28, v0;
	[tilespmem:$0x8D0] =	vst v24  }
0x7e: {  	v36 =	vld [tilespmem:$0x5C0];
	v35 =	vadd.f32 v31, v0;
	[tilespmem:$0x8F0] =	vst v30  }
0x7f: {  	v29 =	vld [tilespmem:$0x7A0];
	v47 =	vadd.f32 v51, v48;
	v61 =	vadd.f32 v56, v0;
	[tilespmem:$0x900] =	vst v33  }
0x80: {  	v42 =	vld [tilespmem:$0x5D0];
	v50 =	vadd.f32 v57, v54;
	v27 =	vadd.f32 v62, v0;
	[tilespmem:$0x910] =	vst v35  }
0x81: {  	v48 =	vld [tilespmem:$0x5E0];
	v52 =	vadd.f32 v47, v0;
	v2 =	vadd.f32 v2, v37;
	[tilespmem:$0x8C0] =	vst v61  }
0x82: {  	v51 =	vld [tilespmem:$0x7E0];
	v55 =	vadd.f32 v50, v0;
	v4 =	vadd.f32 v6, v4;
	[tilespmem:$0x8E0] =	vst v27  }
0x83: {  	v54 =	vld [tilespmem:$0x5F0];
	v38 =	vadd.f32 v9, v8;
	[tilespmem:$0x970] =	vst v52;
	v37 =	vadd.f32 v2, v0  }
0x84: {  	v63 =	vld [tilespmem:$0x790];
	v41 =	vadd.f32 v11, v10;
	[tilespmem:$0x980] =	vst v55;
	v40 =	vadd.f32 v4, v0  }
0x85: {  	v39 =	vld [tilespmem:$0x7C0];
	v44 =	vadd.f32 v45, v12;
	v43 =	vadd.f32 v38, v0;
	[tilespmem:$0x920] =	vst v37  }
0x86: {  	v45 =	vld [tilespmem:$0x7D0];
	v58 =	vadd.f32 v34, v32;
	v46 =	vadd.f32 v41, v0;
	[tilespmem:$0x930] =	vst v40  }
0x87: {  	v57 =	vld [tilespmem:$0x7F0];
	v49 =	vadd.f32 v44, v0;
	v56 =	vadd.f32 v29, v26;
	[tilespmem:$0x940] =	vst v43  }
0x88: {  	v3 =	vadd.f32 v58, v0;
	v61 =	vadd.f32 v51, v48;
	[tilespmem:$0x950] =	vst v46  }
0x89: {  	v53 =	vadd.f32 v63, v60;
	[tilespmem:$0x960] =	vst v49;
	v2 =	vadd.f32 v56, v0  }
0x8a: {  	v59 =	vadd.f32 v39, v36;
	[tilespmem:$0x9B0] =	vst v3;
	v63 =	vadd.f32 v61, v0  }
0x8b: {  	v60 =	vadd.f32 v45, v42;
	v4 =	vadd.f32 v53, v0;
	[tilespmem:$0x9A0] =	vst v2  }
0x8c: {  	v62 =	vadd.f32 v57, v54;
	v1 =	vadd.f32 v59, v0;
	[tilespmem:$0x9E0] =	vst v63  }
0x8d: {  	[tilespmem:$0x990] =	vst v4;
	v4 =	vadd.f32 v60, v0  }
0x8e: {  	[tilespmem:$0x9C0] =	vst v1;
	v0 =	vadd.f32 v62, v0  }
0x8f: {  	p0 =	sne.s32 s9, $0x1;
	[tilespmem:$0x9D0] =	vst v4  }
.Ltmp0:
0x90: {  	[tilespmem:$0x9F0] =	vst v0;
	(pc) =	sbr.rel @p0 .LBB2_1-.Ltmp0, $4  }
0x91: {  	[hbm4b:s8+s2] =	stream.linear.scatter [tilespmem:s29], [sflag:$0x2], $0x200, $0x38;
	[tilespmem:$0xA10] =	vst v63  }
0x92: {  	_ =	swait.ge [sflag:s12], $0x200  }
0x93: {  	[sflag:s12] =	ssyncset.done $0x0  }
0x94: {  	s9 =	sadd.s32 $0xFFFFFFFF, s9;
	[sflag:s12] =	ssyncadd.s32 $0xFFFFFE00  }
0x95: {  	_ =	sfence.sel $0x180000  }
0x96: {  	[bflag:$0x0] =	sbarrier.arrive $0xFFFF  }
0x97: {  	p0 =	sne.s32 s3, $0x0;
	_ =	strace $0x90000047  }
0x98: {  	s0 =	sadd.s32 @!p0 $0x100000, s0;
	[bflag:$0x2] =	sbarrier.arrive $0xFFFF  }
0x99: {  	[sflag:s0] =	ssyncadd.tile.s32 @!p0 $0x1;
	_ =	shalt  }
.Lfunc_end2:
_tile_overlayer_lowered:
.L_overlay_start_2:
0x9a: {  	(tag) =	ssettag $0x2  }
0x9b: {  	s0 =	rddreg [dreg:$0x0];
	s2 =	stileid.u32  }
0x9c: {  	s1 =	rddreg [dreg:$0x1];
	p0 =	sne.s32 s2, $0x0  }
0x9d: {  	s3 =	rddreg [dreg:$0x2];
	[bflag:$0x3] =	sbarrier.arrive $0xFFFF;
	s2 =	simm.s32 @!p0 $0x1C02  }
0x9e: {  	[timem:s3], [sflag:s2] =	dma.local @!p0 [hbm:s0], s1  }
0x9f: {  	s0 =	simm.s32 @!p0 $0x2  }
0xa0: {  	_ =	swait.ge @!p0 [sflag:s0], s1  }
0xa1: {  	s1 =	ssub.s32 @!p0 $0x0, s1;
	[sflag:s0] =	ssyncset.done @!p0 $0x0  }
0xa2: {  	[sflag:s0] =	ssyncadd.s32 @!p0 s1  }
0xa3: {  	[bflag:$0x3] =	sbarrier.arrive $0xFFFF  }
0xa4: {  	_ =	shalt  }

</sc_bundles>
